<compile_context>
chip_gen: v7x
topology: tpu7x:2x2x1
jax: 0.10.2.dev20260603
libtpu: 0.0.44.dev20260713+nightly
codegen_flags: <defaults>
</compile_context>

<pallas_src>
import functools

import jax
import jax.numpy as jnp
import numpy as np
from jax import lax
from jax.experimental import pallas as pl
from jax.experimental.pallas import tpu as pltpu
from jax.experimental.pallas import tpu_sc as plsc

NUM_ELEMENTS = 1000
EMBED_DIM = 256
NUM_BLOCKS = 3
TEMPERATURE = 1.0
B = 4
T = 2048
K = 12


_ROT = [(13, 15, 26, 6), (17, 29, 16, 24)]


def _threefry2x32(k1, k2, x0, x1):
    ks = [np.uint32(k1), np.uint32(k2),
          np.uint32(np.uint32(k1) ^ np.uint32(k2) ^ np.uint32(0x1BD11BDA))]
    x0 = (x0 + ks[0]).astype(np.uint32)
    x1 = (x1 + ks[1]).astype(np.uint32)
    for i in range(5):
        for r in _ROT[i % 2]:
            x0 = (x0 + x1).astype(np.uint32)
            x1 = ((x1 << np.uint32(r)) | (x1 >> np.uint32(32 - r))).astype(np.uint32)
            x1 = (x1 ^ x0).astype(np.uint32)
        x0 = (x0 + ks[(i + 1) % 3]).astype(np.uint32)
        x1 = (x1 + ks[(i + 2) % 3] + np.uint32(i + 1)).astype(np.uint32)
    return x0, x1


def _np_split(key):
    b1, b2 = _threefry2x32(key[0], key[1],
                           np.zeros(2, np.uint32), np.arange(2, dtype=np.uint32))
    return np.stack([b1, b2], axis=1)


def _np_uniform01(key, size):
    iota = np.arange(size, dtype=np.uint64)
    c1 = (iota >> np.uint64(32)).astype(np.uint32)
    c2 = (iota & np.uint64(0xFFFFFFFF)).astype(np.uint32)
    b1, b2 = _threefry2x32(key[0], key[1], c1, c2)
    bits = (b1 ^ b2).astype(np.uint32)
    f = ((bits >> np.uint32(9)) | np.uint32(0x3F800000)).view(np.float32)
    return f - np.float32(1.0)


_NOISE_CACHE = []


def _noise_constant():
    if not _NOISE_CACHE:
        key = np.array([0, 42], dtype=np.uint32)
        blocks = []
        for _ in range(NUM_BLOCKS):
            keys = _np_split(key)
            key, sub = keys[0], keys[1]
            u = _np_uniform01(sub, B * T * NUM_ELEMENTS).reshape(B, T, NUM_ELEMENTS)
            blocks.append(np.float32(1.0) - np.float32(TEMPERATURE) * u)
        _NOISE_CACHE.append(np.stack(blocks))
    return _NOISE_CACHE[0]


def _decoder_body(x_ref, w_ref, noise_ref, dist_ref, idx_ref):
    xb = x_ref[0]
    w = w_ref[0]
    dist = lax.dot_general(xb, w, (((1,), (1,)), ((), ())),
                           preferred_element_type=jnp.float32)
    dist_ref[0] = dist
    noisy = dist * noise_ref[0, 0]
    neg = jnp.float32(-jnp.inf)
    pos = jnp.float32(jnp.inf)
    work = jnp.maximum(noisy[:T // 2], noisy[T // 2:])
    m = jnp.max(work, axis=0)
    for _ in range(K - 1):
        work = jnp.where(work == m[None, :], neg, work)
        m = jnp.max(work, axis=0)
    cnt0 = jnp.sum((noisy >= m[None, :]).astype(jnp.int32), axis=0)

    def _cond(state):
        _, cnt = state
        return jnp.any(cnt > K)

    def _body(state):
        thr_c, cnt = state
        active = cnt > K
        nxt = jnp.min(jnp.where(noisy > thr_c[None, :], noisy, pos), axis=0)
        new_thr = jnp.where(active, nxt, thr_c)
        new_cnt = jnp.sum((noisy >= new_thr[None, :]).astype(jnp.int32), axis=0)
        return new_thr, jnp.where(active, new_cnt, cnt)

    thr, _ = lax.while_loop(_cond, _body, (m, cnt0))
    masked = jnp.where(noisy >= thr[None, :], noisy, 0.0)
    m1 = jnp.max(masked, axis=1)
    lane = lax.broadcasted_iota(jnp.int32, (T, NUM_ELEMENTS), 1)
    big = jnp.int32(2**30)
    idx = jnp.min(jnp.where(masked == m1[:, None], lane, big), axis=1)
    idx_ref[0, 0] = idx


def _routing_call(x, w_stack, noise):
    grid = (NUM_BLOCKS * B,)
    return pl.pallas_call(
        _decoder_body,
        grid=grid,
        in_specs=[
            pl.BlockSpec((1, T, EMBED_DIM), lambda g: (g % B, 0, g // B)),
            pl.BlockSpec((1, NUM_ELEMENTS, EMBED_DIM), lambda g: (g // B, 0, 0)),
            pl.BlockSpec((1, 1, T, NUM_ELEMENTS), lambda g: (g // B, g % B, 0, 0)),
        ],
        out_specs=[
            pl.BlockSpec((1, T, NUM_ELEMENTS), lambda g: (g, 0, 0)),
            pl.BlockSpec((1, 1, T), lambda g: (g, 0, 0)),
        ],
        out_shape=[
            jax.ShapeDtypeStruct((NUM_BLOCKS * B, T, NUM_ELEMENTS), jnp.float32),
            jax.ShapeDtypeStruct((NUM_BLOCKS * B, 1, T), jnp.int32),
        ],
        compiler_params=pltpu.CompilerParams(
            vmem_limit_bytes=110 * 1024 * 1024,
        ),
    )(x, w_stack, noise)


def _make_sc_gather(d, n_idx, chunk):
    n_workers = 32
    per_w = n_idx // n_workers
    n_chunks = per_w // chunk
    mesh = plsc.VectorSubcoreMesh(core_axis_name="c", subcore_axis_name="s")

    @functools.partial(
        pl.kernel, mesh=mesh,
        out_type=jax.ShapeDtypeStruct((n_idx, d), jnp.float32),
        scratch_types=[
            pltpu.VMEM((chunk,), jnp.int32),
            pltpu.VMEM((chunk, d), jnp.float32),
            pltpu.SemaphoreType.DMA,
        ],
    )
    def gather_kernel(table_hbm, idx_hbm, out_hbm, idx_v, rows_v, sem):
        wid = lax.axis_index("s") * 2 + lax.axis_index("c")
        base = wid * per_w
        for c in range(n_chunks):
            off = base + c * chunk
            pltpu.sync_copy(idx_hbm.at[pl.ds(off, chunk)], idx_v)
            pltpu.async_copy(table_hbm.at[idx_v], rows_v, sem).wait()
            pltpu.sync_copy(rows_v, out_hbm.at[pl.ds(off, chunk)])

    return gather_kernel


def kernel(x, W0, W1, W2):
    noise = jnp.asarray(_noise_constant())
    w_stack = jnp.stack([W0, W1, W2])

    dist, idx = _routing_call(x, w_stack, noise)
    dist_logits = jnp.transpose(
        dist.reshape(NUM_BLOCKS, B, T, NUM_ELEMENTS), (1, 2, 0, 3))
    decoded_indices = jnp.transpose(
        idx.reshape(NUM_BLOCKS, B, T), (1, 2, 0))

    table = jnp.concatenate([W0, W1, W2], axis=0)
    gidx = (decoded_indices
            + jnp.arange(NUM_BLOCKS, dtype=jnp.int32) * NUM_ELEMENTS)
    flat_idx = gidx.reshape(-1)
    gather = _make_sc_gather(EMBED_DIM, B * T * NUM_BLOCKS, 128)
    rows = gather(table, flat_idx)
    decoded_latents = rows.reshape(B, T, NUM_BLOCKS * EMBED_DIM)

    return decoded_indices, decoded_latents, dist_logits

# --- scband reference (transcript-rebuilt; emitter-appended) ---
"""Pipeline reference for scband-codebook-decoder-3040836846061 (READ-ONLY COPY).

The authoritative reference and input builder live on the scoring server;
editing this copy changes nothing except your own understanding.
"""

import jax, jax.numpy as jnp
import numpy as np

NUM_ELEMENTS = 1000
EMBED_DIM = 256
NUM_BLOCKS = 3
TEMPERATURE = 1.0
CAPACITY_FACTOR = 1.5


def setup_inputs(seed: int = 0) -> dict:
    key = jax.random.key(seed)
    k_x, k0, k1, k2 = jax.random.split(key, 4)
    x = jax.random.normal(k_x, (4, 2048, NUM_BLOCKS * EMBED_DIM), dtype=jnp.float32)
    # embedding_decoder[i].weight == embedding_table[i].weight, shape [num_elements, embedding_dim]
    W0 = jax.random.normal(k0, (NUM_ELEMENTS, EMBED_DIM), dtype=jnp.float32) * 0.02
    W1 = jax.random.normal(k1, (NUM_ELEMENTS, EMBED_DIM), dtype=jnp.float32) * 0.02
    W2 = jax.random.normal(k2, (NUM_ELEMENTS, EMBED_DIM), dtype=jnp.float32) * 0.02
    return {"x": x, "W0": W0, "W1": W1, "W2": W2}


def _forward(x, W0, W1, W2):
    B, T, _ = x.shape
    Ws = [W0, W1, W2]
    xb = x.reshape(B, T, NUM_BLOCKS, EMBED_DIM)
    tokens_per_batch = B * T
    expert_capacity = int(tokens_per_batch / NUM_ELEMENTS * CAPACITY_FACTOR)
    noise_key = jax.random.key(42)
    decoded_indices = []
    decoded_latents = []
    dist_logits = []
    for i in range(NUM_BLOCKS):
        embedding = xb[:, :, i, :]                        # [B, T, D]
        dist_logit = embedding @ Ws[i].T                  # [B, T, N] (Linear, no bias)
        noise_key, sub = jax.random.split(noise_key)
        noise = 1.0 - TEMPERATURE * jax.random.uniform(sub, dist_logit.shape, dtype=dist_logit.dtype)
        noisy_dist = dist_logit * noise
        # torch.topk(noisy_dist, k=expert_capacity, dim=1): top-k over token dim T
        nd_t = jnp.transpose(noisy_dist, (0, 2, 1))       # [B, N, T]
        _, topk_idx = jax.lax.top_k(nd_t, expert_capacity)  # [B, N, k]
        mask_t = jnp.zeros((B, NUM_ELEMENTS, T), dtype=bool)
        bi = jnp.arange(B)[:, None, None]
        ni = jnp.arange(NUM_ELEMENTS)[None, :, None]
        mask_t = mask_t.at[bi, ni, topk_idx].set(True)
        mask = jnp.transpose(mask_t, (0, 2, 1))           # [B, T, N]
        embedding_index = jnp.argmax(mask.astype(jnp.float32) * noisy_dist, axis=-1)  # [B, T]
        decoded_latent = jnp.take(Ws[i], embedding_index, axis=0)  # [B, T, D]
        decoded_indices.append(embedding_index)
        decoded_latents.append(decoded_latent)
        dist_logits.append(dist_logit)
    decoded_indices = jnp.stack(decoded_indices, axis=2)   # [B, T, num_blocks]
    decoded_latents = jnp.concatenate(decoded_latents, axis=2)  # [B, T, num_blocks*D]
    dist_logits = jnp.stack(dist_logits, axis=2)            # [B, T, num_blocks, N]
    return decoded_indices, decoded_latents, dist_logits


def reference(x, W0, W1, W2):
    return _forward(x, W0, W1, W2)

if __name__ == "__main__":
    import jax
    _d = setup_inputs()
    print(jax.jit(kernel)(*tuple(_d.values())))

</pallas_src>

<mosaic_0001>
#map = affine_map<(d0, d1) -> (0, 0)>
#map1 = affine_map<(d0, d1) -> (0)>
module attributes {stable_mosaic.version = 14 : i64} {
  func.func @gather_kernel(%arg0: i32, %arg1: i32, %arg2: memref<3000x256xf32, #tpu.memory_space<hbm>>, %arg3: memref<24576xi32, #tpu.memory_space<hbm>>, %arg4: memref<24576x256xf32, #tpu.memory_space<hbm>>, %arg5: memref<128xi32, #tpu.memory_space<vmem>>, %arg6: memref<128x256xf32, #tpu.memory_space<vmem>>, %arg7: memref<!tpu.dma_semaphore, #tpu.memory_space<semaphore_mem>>) attributes {dimension_semantics = [#tpu.dimension_semantics<core_parallel>, #tpu.dimension_semantics<subcore_parallel>], iteration_bounds = array<i64: 2, 16>, scalar_prefetch = 0 : i64, scratch_operands = 3 : i64, tpu.core_type = #tpu.core_type<sc_vector_subcore>, window_params = [{transform_indices = #map}, {transform_indices = #map1}, {transform_indices = #map}]} {
    %mul3A = arith.constant 2 : i32
    %mul3A_0 = arith.muli %arg1, %mul3A : i32
    %add3A = arith.addi %mul3A_0, %arg0 : i32
    %mul3A_1 = arith.constant 768 : i32
    %mul3A_2 = arith.muli %add3A, %mul3A_1 : i32
    %add3A_3 = arith.constant 0 : i32
    %add3A_4 = arith.addi %mul3A_2, %add3A_3 : i32
    "tpu.region"() ({
      %run_scoped3A = tpu.sem_alloc : memref<!tpu.dma_semaphore, #tpu.memory_space<semaphore_mem>>
      %dma_start3A_49 = tpu.memref_slice %arg3[%add3A_4] : memref<24576xi32, #tpu.memory_space<hbm>> -> memref<128xi32, #tpu.memory_space<hbm>>
      %dma_start3A_50 = tpu.memref_slice %arg3[%add3A_4] : memref<24576xi32, #tpu.memory_space<hbm>> -> memref<128xi32, #tpu.memory_space<hbm>>
      tpu.enqueue_dma source(%dma_start3A_50 : memref<128xi32, #tpu.memory_space<hbm>>) target(%arg5 : memref<128xi32, #tpu.memory_space<vmem>>) target_semaphore(%run_scoped3A : memref<!tpu.dma_semaphore, #tpu.memory_space<semaphore_mem>>)
      %dma_wait3A_51 = tpu.memref_slice %arg3[%add3A_4] : memref<24576xi32, #tpu.memory_space<hbm>> -> memref<128xi32, #tpu.memory_space<hbm>>
      %dma_wait3A_52 = tpu.memref_slice %arg3[%add3A_4] : memref<24576xi32, #tpu.memory_space<hbm>> -> memref<128xi32, #tpu.memory_space<hbm>>
      tpu.wait_dma2 semaphore(%run_scoped3A : memref<!tpu.dma_semaphore, #tpu.memory_space<semaphore_mem>>) src(%dma_wait3A_52 : memref<128xi32, #tpu.memory_space<hbm>>) dst(%arg5 : memref<128xi32, #tpu.memory_space<vmem>>)
      tpu.yield
    }) : () -> ()
    %dma_start3A = arith.constant 0 : i32
    %dma_start3A_5 = arith.constant 0 : i32
    %dma_start3A_6 = tpu.memref_slice %arg2[%dma_start3A, %dma_start3A_5] : memref<3000x256xf32, #tpu.memory_space<hbm>> -> memref<3000x256xf32, #tpu.memory_space<hbm>>
    tpu.enqueue_indirect_dma source(%dma_start3A_6 : memref<3000x256xf32, #tpu.memory_space<hbm>>) target(%arg6 : memref<128x256xf32, #tpu.memory_space<vmem>>) offsets(%arg5 : memref<128xi32, #tpu.memory_space<vmem>>) semaphore(%arg7 : memref<!tpu.dma_semaphore, #tpu.memory_space<semaphore_mem>>)
    %dma_wait3A = arith.constant 0 : i32
    %dma_wait3A_7 = arith.constant 0 : i32
    %dma_wait3A_8 = tpu.memref_slice %arg2[%dma_wait3A, %dma_wait3A_7] : memref<3000x256xf32, #tpu.memory_space<hbm>> -> memref<3000x256xf32, #tpu.memory_space<hbm>>
    tpu.wait_indirect_dma semaphore(%arg7 : memref<!tpu.dma_semaphore, #tpu.memory_space<semaphore_mem>>) src(%dma_wait3A_8 : memref<3000x256xf32, #tpu.memory_space<hbm>>) dst(%arg6 : memref<128x256xf32, #tpu.memory_space<vmem>>)
    "tpu.region"() ({
      %run_scoped3A = tpu.sem_alloc : memref<!tpu.dma_semaphore, #tpu.memory_space<semaphore_mem>>
      %dma_start3A_49 = arith.constant 0 : i32
      %dma_start3A_50 = tpu.memref_slice %arg4[%add3A_4, %dma_start3A_49] : memref<24576x256xf32, #tpu.memory_space<hbm>> -> memref<128x256xf32, #tpu.memory_space<hbm>>
      %dma_start3A_51 = arith.constant 0 : i32
      %dma_start3A_52 = tpu.memref_slice %arg4[%add3A_4, %dma_start3A_51] : memref<24576x256xf32, #tpu.memory_space<hbm>> -> memref<128x256xf32, #tpu.memory_space<hbm>>
      tpu.enqueue_dma source(%arg6 : memref<128x256xf32, #tpu.memory_space<vmem>>) target(%dma_start3A_52 : memref<128x256xf32, #tpu.memory_space<hbm>>) target_semaphore(%run_scoped3A : memref<!tpu.dma_semaphore, #tpu.memory_space<semaphore_mem>>)
      %dma_wait3A_53 = arith.constant 0 : i32
      %dma_wait3A_54 = tpu.memref_slice %arg4[%add3A_4, %dma_wait3A_53] : memref<24576x256xf32, #tpu.memory_space<hbm>> -> memref<128x256xf32, #tpu.memory_space<hbm>>
      %dma_wait3A_55 = arith.constant 0 : i32
      %dma_wait3A_56 = tpu.memref_slice %arg4[%add3A_4, %dma_wait3A_55] : memref<24576x256xf32, #tpu.memory_space<hbm>> -> memref<128x256xf32, #tpu.memory_space<hbm>>
      tpu.wait_dma2 semaphore(%run_scoped3A : memref<!tpu.dma_semaphore, #tpu.memory_space<semaphore_mem>>) src(%arg6 : memref<128x256xf32, #tpu.memory_space<vmem>>) dst(%dma_wait3A_56 : memref<128x256xf32, #tpu.memory_space<hbm>>)
      tpu.yield
    }) : () -> ()
    %add3A_9 = arith.constant 128 : i32
    %add3A_10 = arith.addi %mul3A_2, %add3A_9 : i32
    "tpu.region"() ({
      %run_scoped3A = tpu.sem_alloc : memref<!tpu.dma_semaphore, #tpu.memory_space<semaphore_mem>>
      %dma_start3A_49 = tpu.memref_slice %arg3[%add3A_10] : memref<24576xi32, #tpu.memory_space<hbm>> -> memref<128xi32, #tpu.memory_space<hbm>>
      %dma_start3A_50 = tpu.memref_slice %arg3[%add3A_10] : memref<24576xi32, #tpu.memory_space<hbm>> -> memref<128xi32, #tpu.memory_space<hbm>>
      tpu.enqueue_dma source(%dma_start3A_50 : memref<128xi32, #tpu.memory_space<hbm>>) target(%arg5 : memref<128xi32, #tpu.memory_space<vmem>>) target_semaphore(%run_scoped3A : memref<!tpu.dma_semaphore, #tpu.memory_space<semaphore_mem>>)
      %dma_wait3A_51 = tpu.memref_slice %arg3[%add3A_10] : memref<24576xi32, #tpu.memory_space<hbm>> -> memref<128xi32, #tpu.memory_space<hbm>>
      %dma_wait3A_52 = tpu.memref_slice %arg3[%add3A_10] : memref<24576xi32, #tpu.memory_space<hbm>> -> memref<128xi32, #tpu.memory_space<hbm>>
      tpu.wait_dma2 semaphore(%run_scoped3A : memref<!tpu.dma_semaphore, #tpu.memory_space<semaphore_mem>>) src(%dma_wait3A_52 : memref<128xi32, #tpu.memory_space<hbm>>) dst(%arg5 : memref<128xi32, #tpu.memory_space<vmem>>)
      tpu.yield
    }) : () -> ()
    %dma_start3A_11 = arith.constant 0 : i32
    %dma_start3A_12 = arith.constant 0 : i32
    %dma_start3A_13 = tpu.memref_slice %arg2[%dma_start3A_11, %dma_start3A_12] : memref<3000x256xf32, #tpu.memory_space<hbm>> -> memref<3000x256xf32, #tpu.memory_space<hbm>>
    tpu.enqueue_indirect_dma source(%dma_start3A_13 : memref<3000x256xf32, #tpu.memory_space<hbm>>) target(%arg6 : memref<128x256xf32, #tpu.memory_space<vmem>>) offsets(%arg5 : memref<128xi32, #tpu.memory_space<vmem>>) semaphore(%arg7 : memref<!tpu.dma_semaphore, #tpu.memory_space<semaphore_mem>>)
    %dma_wait3A_14 = arith.constant 0 : i32
    %dma_wait3A_15 = arith.constant 0 : i32
    %dma_wait3A_16 = tpu.memref_slice %arg2[%dma_wait3A_14, %dma_wait3A_15] : memref<3000x256xf32, #tpu.memory_space<hbm>> -> memref<3000x256xf32, #tpu.memory_space<hbm>>
    tpu.wait_indirect_dma semaphore(%arg7 : memref<!tpu.dma_semaphore, #tpu.memory_space<semaphore_mem>>) src(%dma_wait3A_16 : memref<3000x256xf32, #tpu.memory_space<hbm>>) dst(%arg6 : memref<128x256xf32, #tpu.memory_space<vmem>>)
    "tpu.region"() ({
      %run_scoped3A = tpu.sem_alloc : memref<!tpu.dma_semaphore, #tpu.memory_space<semaphore_mem>>
      %dma_start3A_49 = arith.constant 0 : i32
      %dma_start3A_50 = tpu.memref_slice %arg4[%add3A_10, %dma_start3A_49] : memref<24576x256xf32, #tpu.memory_space<hbm>> -> memref<128x256xf32, #tpu.memory_space<hbm>>
      %dma_start3A_51 = arith.constant 0 : i32
      %dma_start3A_52 = tpu.memref_slice %arg4[%add3A_10, %dma_start3A_51] : memref<24576x256xf32, #tpu.memory_space<hbm>> -> memref<128x256xf32, #tpu.memory_space<hbm>>
      tpu.enqueue_dma source(%arg6 : memref<128x256xf32, #tpu.memory_space<vmem>>) target(%dma_start3A_52 : memref<128x256xf32, #tpu.memory_space<hbm>>) target_semaphore(%run_scoped3A : memref<!tpu.dma_semaphore, #tpu.memory_space<semaphore_mem>>)
      %dma_wait3A_53 = arith.constant 0 : i32
      %dma_wait3A_54 = tpu.memref_slice %arg4[%add3A_10, %dma_wait3A_53] : memref<24576x256xf32, #tpu.memory_space<hbm>> -> memref<128x256xf32, #tpu.memory_space<hbm>>
      %dma_wait3A_55 = arith.constant 0 : i32
      %dma_wait3A_56 = tpu.memref_slice %arg4[%add3A_10, %dma_wait3A_55] : memref<24576x256xf32, #tpu.memory_space<hbm>> -> memref<128x256xf32, #tpu.memory_space<hbm>>
      tpu.wait_dma2 semaphore(%run_scoped3A : memref<!tpu.dma_semaphore, #tpu.memory_space<semaphore_mem>>) src(%arg6 : memref<128x256xf32, #tpu.memory_space<vmem>>) dst(%dma_wait3A_56 : memref<128x256xf32, #tpu.memory_space<hbm>>)
      tpu.yield
    }) : () -> ()
    %add3A_17 = arith.constant 256 : i32
    %add3A_18 = arith.addi %mul3A_2, %add3A_17 : i32
    "tpu.region"() ({
      %run_scoped3A = tpu.sem_alloc : memref<!tpu.dma_semaphore, #tpu.memory_space<semaphore_mem>>
      %dma_start3A_49 = tpu.memref_slice %arg3[%add3A_18] : memref<24576xi32, #tpu.memory_space<hbm>> -> memref<128xi32, #tpu.memory_space<hbm>>
      %dma_start3A_50 = tpu.memref_slice %arg3[%add3A_18] : memref<24576xi32, #tpu.memory_space<hbm>> -> memref<128xi32, #tpu.memory_space<hbm>>
      tpu.enqueue_dma source(%dma_start3A_50 : memref<128xi32, #tpu.memory_space<hbm>>) target(%arg5 : memref<128xi32, #tpu.memory_space<vmem>>) target_semaphore(%run_scoped3A : memref<!tpu.dma_semaphore, #tpu.memory_space<semaphore_mem>>)
      %dma_wait3A_51 = tpu.memref_slice %arg3[%add3A_18] : memref<24576xi32, #tpu.memory_space<hbm>> -> memref<128xi32, #tpu.memory_space<hbm>>
      %dma_wait3A_52 = tpu.memref_slice %arg3[%add3A_18] : memref<24576xi32, #tpu.memory_space<hbm>> -> memref<128xi32, #tpu.memory_space<hbm>>
      tpu.wait_dma2 semaphore(%run_scoped3A : memref<!tpu.dma_semaphore, #tpu.memory_space<semaphore_mem>>) src(%dma_wait3A_52 : memref<128xi32, #tpu.memory_space<hbm>>) dst(%arg5 : memref<128xi32, #tpu.memory_space<vmem>>)
      tpu.yield
    }) : () -> ()
    %dma_start3A_19 = arith.constant 0 : i32
    %dma_start3A_20 = arith.constant 0 : i32
    %dma_start3A_21 = tpu.memref_slice %arg2[%dma_start3A_19, %dma_start3A_20] : memref<3000x256xf32, #tpu.memory_space<hbm>> -> memref<3000x256xf32, #tpu.memory_space<hbm>>
    tpu.enqueue_indirect_dma source(%dma_start3A_21 : memref<3000x256xf32, #tpu.memory_space<hbm>>) target(%arg6 : memref<128x256xf32, #tpu.memory_space<vmem>>) offsets(%arg5 : memref<128xi32, #tpu.memory_space<vmem>>) semaphore(%arg7 : memref<!tpu.dma_semaphore, #tpu.memory_space<semaphore_mem>>)
    %dma_wait3A_22 = arith.constant 0 : i32
    %dma_wait3A_23 = arith.constant 0 : i32
    %dma_wait3A_24 = tpu.memref_slice %arg2[%dma_wait3A_22, %dma_wait3A_23] : memref<3000x256xf32, #tpu.memory_space<hbm>> -> memref<3000x256xf32, #tpu.memory_space<hbm>>
    tpu.wait_indirect_dma semaphore(%arg7 : memref<!tpu.dma_semaphore, #tpu.memory_space<semaphore_mem>>) src(%dma_wait3A_24 : memref<3000x256xf32, #tpu.memory_space<hbm>>) dst(%arg6 : memref<128x256xf32, #tpu.memory_space<vmem>>)
    "tpu.region"() ({
      %run_scoped3A = tpu.sem_alloc : memref<!tpu.dma_semaphore, #tpu.memory_space<semaphore_mem>>
      %dma_start3A_49 = arith.constant 0 : i32
      %dma_start3A_50 = tpu.memref_slice %arg4[%add3A_18, %dma_start3A_49] : memref<24576x256xf32, #tpu.memory_space<hbm>> -> memref<128x256xf32, #tpu.memory_space<hbm>>
      %dma_start3A_51 = arith.constant 0 : i32
      %dma_start3A_52 = tpu.memref_slice %arg4[%add3A_18, %dma_start3A_51] : memref<24576x256xf32, #tpu.memory_space<hbm>> -> memref<128x256xf32, #tpu.memory_space<hbm>>
      tpu.enqueue_dma source(%arg6 : memref<128x256xf32, #tpu.memory_space<vmem>>) target(%dma_start3A_52 : memref<128x256xf32, #tpu.memory_space<hbm>>) target_semaphore(%run_scoped3A : memref<!tpu.dma_semaphore, #tpu.memory_space<semaphore_mem>>)
      %dma_wait3A_53 = arith.constant 0 : i32
      %dma_wait3A_54 = tpu.memref_slice %arg4[%add3A_18, %dma_wait3A_53] : memref<24576x256xf32, #tpu.memory_space<hbm>> -> memref<128x256xf32, #tpu.memory_space<hbm>>
      %dma_wait3A_55 = arith.constant 0 : i32
      %dma_wait3A_56 = tpu.memref_slice %arg4[%add3A_18, %dma_wait3A_55] : memref<24576x256xf32, #tpu.memory_space<hbm>> -> memref<128x256xf32, #tpu.memory_space<hbm>>
      tpu.wait_dma2 semaphore(%run_scoped3A : memref<!tpu.dma_semaphore, #tpu.memory_space<semaphore_mem>>) src(%arg6 : memref<128x256xf32, #tpu.memory_space<vmem>>) dst(%dma_wait3A_56 : memref<128x256xf32, #tpu.memory_space<hbm>>)
      tpu.yield
    }) : () -> ()
    %add3A_25 = arith.constant 384 : i32
    %add3A_26 = arith.addi %mul3A_2, %add3A_25 : i32
    "tpu.region"() ({
      %run_scoped3A = tpu.sem_alloc : memref<!tpu.dma_semaphore, #tpu.memory_space<semaphore_mem>>
      %dma_start3A_49 = tpu.memref_slice %arg3[%add3A_26] : memref<24576xi32, #tpu.memory_space<hbm>> -> memref<128xi32, #tpu.memory_space<hbm>>
      %dma_start3A_50 = tpu.memref_slice %arg3[%add3A_26] : memref<24576xi32, #tpu.memory_space<hbm>> -> memref<128xi32, #tpu.memory_space<hbm>>
      tpu.enqueue_dma source(%dma_start3A_50 : memref<128xi32, #tpu.memory_space<hbm>>) target(%arg5 : memref<128xi32, #tpu.memory_space<vmem>>) target_semaphore(%run_scoped3A : memref<!tpu.dma_semaphore, #tpu.memory_space<semaphore_mem>>)
      %dma_wait3A_51 = tpu.memref_slice %arg3[%add3A_26] : memref<24576xi32, #tpu.memory_space<hbm>> -> memref<128xi32, #tpu.memory_space<hbm>>
      %dma_wait3A_52 = tpu.memref_slice %arg3[%add3A_26] : memref<24576xi32, #tpu.memory_space<hbm>> -> memref<128xi32, #tpu.memory_space<hbm>>
      tpu.wait_dma2 semaphore(%run_scoped3A : memref<!tpu.dma_semaphore, #tpu.memory_space<semaphore_mem>>) src(%dma_wait3A_52 : memref<128xi32, #tpu.memory_space<hbm>>) dst(%arg5 : memref<128xi32, #tpu.memory_space<vmem>>)
      tpu.yield
    }) : () -> ()
    %dma_start3A_27 = arith.constant 0 : i32
    %dma_start3A_28 = arith.constant 0 : i32
    %dma_start3A_29 = tpu.memref_slice %arg2[%dma_start3A_27, %dma_start3A_28] : memref<3000x256xf32, #tpu.memory_space<hbm>> -> memref<3000x256xf32, #tpu.memory_space<hbm>>
    tpu.enqueue_indirect_dma source(%dma_start3A_29 : memref<3000x256xf32, #tpu.memory_space<hbm>>) target(%arg6 : memref<128x256xf32, #tpu.memory_space<vmem>>) offsets(%arg5 : memref<128xi32, #tpu.memory_space<vmem>>) semaphore(%arg7 : memref<!tpu.dma_semaphore, #tpu.memory_space<semaphore_mem>>)
    %dma_wait3A_30 = arith.constant 0 : i32
    %dma_wait3A_31 = arith.constant 0 : i32
    %dma_wait3A_32 = tpu.memref_slice %arg2[%dma_wait3A_30, %dma_wait3A_31] : memref<3000x256xf32, #tpu.memory_space<hbm>> -> memref<3000x256xf32, #tpu.memory_space<hbm>>
    tpu.wait_indirect_dma semaphore(%arg7 : memref<!tpu.dma_semaphore, #tpu.memory_space<semaphore_mem>>) src(%dma_wait3A_32 : memref<3000x256xf32, #tpu.memory_space<hbm>>) dst(%arg6 : memref<128x256xf32, #tpu.memory_space<vmem>>)
    "tpu.region"() ({
      %run_scoped3A = tpu.sem_alloc : memref<!tpu.dma_semaphore, #tpu.memory_space<semaphore_mem>>
      %dma_start3A_49 = arith.constant 0 : i32
      %dma_start3A_50 = tpu.memref_slice %arg4[%add3A_26, %dma_start3A_49] : memref<24576x256xf32, #tpu.memory_space<hbm>> -> memref<128x256xf32, #tpu.memory_space<hbm>>
      %dma_start3A_51 = arith.constant 0 : i32
      %dma_start3A_52 = tpu.memref_slice %arg4[%add3A_26, %dma_start3A_51] : memref<24576x256xf32, #tpu.memory_space<hbm>> -> memref<128x256xf32, #tpu.memory_space<hbm>>
      tpu.enqueue_dma source(%arg6 : memref<128x256xf32, #tpu.memory_space<vmem>>) target(%dma_start3A_52 : memref<128x256xf32, #tpu.memory_space<hbm>>) target_semaphore(%run_scoped3A : memref<!tpu.dma_semaphore, #tpu.memory_space<semaphore_mem>>)
      %dma_wait3A_53 = arith.constant 0 : i32
      %dma_wait3A_54 = tpu.memref_slice %arg4[%add3A_26, %dma_wait3A_53] : memref<24576x256xf32, #tpu.memory_space<hbm>> -> memref<128x256xf32, #tpu.memory_space<hbm>>
      %dma_wait3A_55 = arith.constant 0 : i32
      %dma_wait3A_56 = tpu.memref_slice %arg4[%add3A_26, %dma_wait3A_55] : memref<24576x256xf32, #tpu.memory_space<hbm>> -> memref<128x256xf32, #tpu.memory_space<hbm>>
      tpu.wait_dma2 semaphore(%run_scoped3A : memref<!tpu.dma_semaphore, #tpu.memory_space<semaphore_mem>>) src(%arg6 : memref<128x256xf32, #tpu.memory_space<vmem>>) dst(%dma_wait3A_56 : memref<128x256xf32, #tpu.memory_space<hbm>>)
      tpu.yield
    }) : () -> ()
    %add3A_33 = arith.constant 512 : i32
    %add3A_34 = arith.addi %mul3A_2, %add3A_33 : i32
    "tpu.region"() ({
      %run_scoped3A = tpu.sem_alloc : memref<!tpu.dma_semaphore, #tpu.memory_space<semaphore_mem>>
      %dma_start3A_49 = tpu.memref_slice %arg3[%add3A_34] : memref<24576xi32, #tpu.memory_space<hbm>> -> memref<128xi32, #tpu.memory_space<hbm>>
      %dma_start3A_50 = tpu.memref_slice %arg3[%add3A_34] : memref<24576xi32, #tpu.memory_space<hbm>> -> memref<128xi32, #tpu.memory_space<hbm>>
      tpu.enqueue_dma source(%dma_start3A_50 : memref<128xi32, #tpu.memory_space<hbm>>) target(%arg5 : memref<128xi32, #tpu.memory_space<vmem>>) target_semaphore(%run_scoped3A : memref<!tpu.dma_semaphore, #tpu.memory_space<semaphore_mem>>)
      %dma_wait3A_51 = tpu.memref_slice %arg3[%add3A_34] : memref<24576xi32, #tpu.memory_space<hbm>> -> memref<128xi32, #tpu.memory_space<hbm>>
      %dma_wait3A_52 = tpu.memref_slice %arg3[%add3A_34] : memref<24576xi32, #tpu.memory_space<hbm>> -> memref<128xi32, #tpu.memory_space<hbm>>
      tpu.wait_dma2 semaphore(%run_scoped3A : memref<!tpu.dma_semaphore, #tpu.memory_space<semaphore_mem>>) src(%dma_wait3A_52 : memref<128xi32, #tpu.memory_space<hbm>>) dst(%arg5 : memref<128xi32, #tpu.memory_space<vmem>>)
      tpu.yield
    }) : () -> ()
    %dma_start3A_35 = arith.constant 0 : i32
    %dma_start3A_36 = arith.constant 0 : i32
    %dma_start3A_37 = tpu.memref_slice %arg2[%dma_start3A_35, %dma_start3A_36] : memref<3000x256xf32, #tpu.memory_space<hbm>> -> memref<3000x256xf32, #tpu.memory_space<hbm>>
    tpu.enqueue_indirect_dma source(%dma_start3A_37 : memref<3000x256xf32, #tpu.memory_space<hbm>>) target(%arg6 : memref<128x256xf32, #tpu.memory_space<vmem>>) offsets(%arg5 : memref<128xi32, #tpu.memory_space<vmem>>) semaphore(%arg7 : memref<!tpu.dma_semaphore, #tpu.memory_space<semaphore_mem>>)
    %dma_wait3A_38 = arith.constant 0 : i32
    %dma_wait3A_39 = arith.constant 0 : i32
    %dma_wait3A_40 = tpu.memref_slice %arg2[%dma_wait3A_38, %dma_wait3A_39] : memref<3000x256xf32, #tpu.memory_space<hbm>> -> memref<3000x256xf32, #tpu.memory_space<hbm>>
    tpu.wait_indirect_dma semaphore(%arg7 : memref<!tpu.dma_semaphore, #tpu.memory_space<semaphore_mem>>) src(%dma_wait3A_40 : memref<3000x256xf32, #tpu.memory_space<hbm>>) dst(%arg6 : memref<128x256xf32, #tpu.memory_space<vmem>>)
    "tpu.region"() ({
      %run_scoped3A = tpu.sem_alloc : memref<!tpu.dma_semaphore, #tpu.memory_space<semaphore_mem>>
      %dma_start3A_49 = arith.constant 0 : i32
      %dma_start3A_50 = tpu.memref_slice %arg4[%add3A_34, %dma_start3A_49] : memref<24576x256xf32, #tpu.memory_space<hbm>> -> memref<128x256xf32, #tpu.memory_space<hbm>>
      %dma_start3A_51 = arith.constant 0 : i32
      %dma_start3A_52 = tpu.memref_slice %arg4[%add3A_34, %dma_start3A_51] : memref<24576x256xf32, #tpu.memory_space<hbm>> -> memref<128x256xf32, #tpu.memory_space<hbm>>
      tpu.enqueue_dma source(%arg6 : memref<128x256xf32, #tpu.memory_space<vmem>>) target(%dma_start3A_52 : memref<128x256xf32, #tpu.memory_space<hbm>>) target_semaphore(%run_scoped3A : memref<!tpu.dma_semaphore, #tpu.memory_space<semaphore_mem>>)
      %dma_wait3A_53 = arith.constant 0 : i32
      %dma_wait3A_54 = tpu.memref_slice %arg4[%add3A_34, %dma_wait3A_53] : memref<24576x256xf32, #tpu.memory_space<hbm>> -> memref<128x256xf32, #tpu.memory_space<hbm>>
      %dma_wait3A_55 = arith.constant 0 : i32
      %dma_wait3A_56 = tpu.memref_slice %arg4[%add3A_34, %dma_wait3A_55] : memref<24576x256xf32, #tpu.memory_space<hbm>> -> memref<128x256xf32, #tpu.memory_space<hbm>>
      tpu.wait_dma2 semaphore(%run_scoped3A : memref<!tpu.dma_semaphore, #tpu.memory_space<semaphore_mem>>) src(%arg6 : memref<128x256xf32, #tpu.memory_space<vmem>>) dst(%dma_wait3A_56 : memref<128x256xf32, #tpu.memory_space<hbm>>)
      tpu.yield
    }) : () -> ()
    %add3A_41 = arith.constant 640 : i32
    %add3A_42 = arith.addi %mul3A_2, %add3A_41 : i32
    "tpu.region"() ({
      %run_scoped3A = tpu.sem_alloc : memref<!tpu.dma_semaphore, #tpu.memory_space<semaphore_mem>>
      %dma_start3A_49 = tpu.memref_slice %arg3[%add3A_42] : memref<24576xi32, #tpu.memory_space<hbm>> -> memref<128xi32, #tpu.memory_space<hbm>>
      %dma_start3A_50 = tpu.memref_slice %arg3[%add3A_42] : memref<24576xi32, #tpu.memory_space<hbm>> -> memref<128xi32, #tpu.memory_space<hbm>>
      tpu.enqueue_dma source(%dma_start3A_50 : memref<128xi32, #tpu.memory_space<hbm>>) target(%arg5 : memref<128xi32, #tpu.memory_space<vmem>>) target_semaphore(%run_scoped3A : memref<!tpu.dma_semaphore, #tpu.memory_space<semaphore_mem>>)
      %dma_wait3A_51 = tpu.memref_slice %arg3[%add3A_42] : memref<24576xi32, #tpu.memory_space<hbm>> -> memref<128xi32, #tpu.memory_space<hbm>>
      %dma_wait3A_52 = tpu.memref_slice %arg3[%add3A_42] : memref<24576xi32, #tpu.memory_space<hbm>> -> memref<128xi32, #tpu.memory_space<hbm>>
      tpu.wait_dma2 semaphore(%run_scoped3A : memref<!tpu.dma_semaphore, #tpu.memory_space<semaphore_mem>>) src(%dma_wait3A_52 : memref<128xi32, #tpu.memory_space<hbm>>) dst(%arg5 : memref<128xi32, #tpu.memory_space<vmem>>)
      tpu.yield
    }) : () -> ()
    %dma_start3A_43 = arith.constant 0 : i32
    %dma_start3A_44 = arith.constant 0 : i32
    %dma_start3A_45 = tpu.memref_slice %arg2[%dma_start3A_43, %dma_start3A_44] : memref<3000x256xf32, #tpu.memory_space<hbm>> -> memref<3000x256xf32, #tpu.memory_space<hbm>>
    tpu.enqueue_indirect_dma source(%dma_start3A_45 : memref<3000x256xf32, #tpu.memory_space<hbm>>) target(%arg6 : memref<128x256xf32, #tpu.memory_space<vmem>>) offsets(%arg5 : memref<128xi32, #tpu.memory_space<vmem>>) semaphore(%arg7 : memref<!tpu.dma_semaphore, #tpu.memory_space<semaphore_mem>>)
    %dma_wait3A_46 = arith.constant 0 : i32
    %dma_wait3A_47 = arith.constant 0 : i32
    %dma_wait3A_48 = tpu.memref_slice %arg2[%dma_wait3A_46, %dma_wait3A_47] : memref<3000x256xf32, #tpu.memory_space<hbm>> -> memref<3000x256xf32, #tpu.memory_space<hbm>>
    tpu.wait_indirect_dma semaphore(%arg7 : memref<!tpu.dma_semaphore, #tpu.memory_space<semaphore_mem>>) src(%dma_wait3A_48 : memref<3000x256xf32, #tpu.memory_space<hbm>>) dst(%arg6 : memref<128x256xf32, #tpu.memory_space<vmem>>)
    "tpu.region"() ({
      %run_scoped3A = tpu.sem_alloc : memref<!tpu.dma_semaphore, #tpu.memory_space<semaphore_mem>>
      %dma_start3A_49 = arith.constant 0 : i32
      %dma_start3A_50 = tpu.memref_slice %arg4[%add3A_42, %dma_start3A_49] : memref<24576x256xf32, #tpu.memory_space<hbm>> -> memref<128x256xf32, #tpu.memory_space<hbm>>
      %dma_start3A_51 = arith.constant 0 : i32
      %dma_start3A_52 = tpu.memref_slice %arg4[%add3A_42, %dma_start3A_51] : memref<24576x256xf32, #tpu.memory_space<hbm>> -> memref<128x256xf32, #tpu.memory_space<hbm>>
      tpu.enqueue_dma source(%arg6 : memref<128x256xf32, #tpu.memory_space<vmem>>) target(%dma_start3A_52 : memref<128x256xf32, #tpu.memory_space<hbm>>) target_semaphore(%run_scoped3A : memref<!tpu.dma_semaphore, #tpu.memory_space<semaphore_mem>>)
      %dma_wait3A_53 = arith.constant 0 : i32
      %dma_wait3A_54 = tpu.memref_slice %arg4[%add3A_42, %dma_wait3A_53] : memref<24576x256xf32, #tpu.memory_space<hbm>> -> memref<128x256xf32, #tpu.memory_space<hbm>>
      %dma_wait3A_55 = arith.constant 0 : i32
      %dma_wait3A_56 = tpu.memref_slice %arg4[%add3A_42, %dma_wait3A_55] : memref<24576x256xf32, #tpu.memory_space<hbm>> -> memref<128x256xf32, #tpu.memory_space<hbm>>
      tpu.wait_dma2 semaphore(%run_scoped3A : memref<!tpu.dma_semaphore, #tpu.memory_space<semaphore_mem>>) src(%arg6 : memref<128x256xf32, #tpu.memory_space<vmem>>) dst(%dma_wait3A_56 : memref<128x256xf32, #tpu.memory_space<hbm>>)
      tpu.yield
    }) : () -> ()
    return
  }
}

module attributes {stable_mosaic.version = 14 : i64} {
  func.func @_decoder_body(%arg0: i32, %arg1: memref<1x2048x256xf32, #tpu.memory_space<vmem>>, %arg2: memref<1x1000x256xf32, #tpu.memory_space<vmem>>, %arg3: memref<1x1x2048x1000xf32, #tpu.memory_space<vmem>>, %arg4: memref<1x2048x1000xf32, #tpu.memory_space<vmem>>, %arg5: memref<1x1x2048xi32, #tpu.memory_space<vmem>>) attributes {dimension_semantics = [#tpu.dimension_semantics<arbitrary>], iteration_bounds = array<i64: 12>, scalar_prefetch = 0 : i64, scratch_operands = 0 : i64, tpu.core_type = #tpu.core_type<tc>, window_params = [{transform_indices = @transform_0, window_bounds = array<i64: 1, 2048, 256>}, {transform_indices = @transform_1, window_bounds = array<i64: 1, 1000, 256>}, {transform_indices = @transform_2, window_bounds = array<i64: 1, 1, 2048, 1000>}, {transform_indices = @transform_3, window_bounds = array<i64: 1, 2048, 1000>}, {transform_indices = @transform_4, window_bounds = array<i64: 1, 1, 2048>}]} {
    %get3A = arith.constant 0 : index
    %get3A_0 = arith.constant 0 : index
    %get3A_1 = arith.constant 0 : index
    %get3A_2 = vector.load %arg1[%get3A, %get3A_0, %get3A_1] : memref<1x2048x256xf32, #tpu.memory_space<vmem>>, vector<1x2048x256xf32>
    %get3A_3 = vector.shape_cast %get3A_2 : vector<1x2048x256xf32> to vector<2048x256xf32>
    %get3A_4 = arith.constant 0 : index
    %get3A_5 = arith.constant 0 : index
    %get3A_6 = arith.constant 0 : index
    %get3A_7 = vector.load %arg2[%get3A_4, %get3A_5, %get3A_6] : memref<1x1000x256xf32, #tpu.memory_space<vmem>>, vector<1x1000x256xf32>
    %get3A_8 = vector.shape_cast %get3A_7 : vector<1x1000x256xf32> to vector<1000x256xf32>
    %dot_general3A = arith.constant dense<0.000000e+00> : vector<2048x1000xf32>
    %dot_general3A_9 = tpu.matmul %get3A_3, %get3A_8, %dot_general3A {dimension_numbers = #tpu.dot_dimension_numbers<[1], [1], [0], [0], [0, 0, 1, 0], [], []>, transpose_lhs_hint = false} : vector<2048x256xf32>, vector<1000x256xf32>, vector<2048x1000xf32> -> vector<2048x1000xf32>
    %swap3A = arith.constant 0 : index
    %swap3A_10 = arith.constant 0 : index
    %swap3A_11 = arith.constant 0 : index
    %swap3A_12 = vector.load %arg4[%swap3A, %swap3A_10, %swap3A_11] : memref<1x2048x1000xf32, #tpu.memory_space<vmem>>, vector<1x2048x1000xf32>
    %swap3A_13 = vector.shape_cast %swap3A_12 : vector<1x2048x1000xf32> to vector<2048x1000xf32>
    %swap3A_14 = vector.shape_cast %dot_general3A_9 : vector<2048x1000xf32> to vector<1x2048x1000xf32>
    tpu.vector_store %arg4[%swap3A, %swap3A_10, %swap3A_11], %swap3A_14 {strides = array<i32>} : memref<1x2048x1000xf32, #tpu.memory_space<vmem>>, vector<1x2048x1000xf32>,
    %get3A_15 = arith.constant 0 : index
    %get3A_16 = arith.constant 0 : index
    %get3A_17 = arith.constant 0 : index
    %get3A_18 = arith.constant 0 : index
    %get3A_19 = vector.load %arg3[%get3A_15, %get3A_16, %get3A_17, %get3A_18] : memref<1x1x2048x1000xf32, #tpu.memory_space<vmem>>, vector<1x1x2048x1000xf32>
    %get3A_20 = vector.shape_cast %get3A_19 : vector<1x1x2048x1000xf32> to vector<2048x1000xf32>
    %mul3A = arith.mulf %dot_general3A_9, %get3A_20 : vector<2048x1000xf32>
    %slice3A = vector.extract_strided_slice %mul3A {offsets = [0, 0], sizes = [1024, 1000], strides = [1, 1]} : vector<2048x1000xf32> to vector<1024x1000xf32>
    %slice3A_21 = vector.extract_strided_slice %mul3A {offsets = [1024, 0], sizes = [1024, 1000], strides = [1, 1]} : vector<2048x1000xf32> to vector<1024x1000xf32>
    %max3A = arith.maximumf %slice3A, %slice3A_21 : vector<1024x1000xf32>
    %reduce_max3A = arith.constant dense<0xFF800000> : vector<1000xf32>
    %reduce_max3A_22 = vector.multi_reduction <maximumf>, %max3A, %reduce_max3A [0] : vector<1024x1000xf32> to vector<1000xf32>
    %broadcast_in_dim3A = vector.shape_cast %reduce_max3A_22 : vector<1000xf32> to vector<1x1000xf32>
    %eq3A = vector.broadcast %broadcast_in_dim3A : vector<1x1000xf32> to vector<1024x1000xf32>
    %eq3A_23 = arith.cmpf oeq, %max3A, %eq3A : vector<1024x1000xf32>
    %jit3A = arith.constant 0xFF800000 : f32
    %broadcast_in_dim3A_24 = vector.broadcast %jit3A : f32 to vector<1024x1000xf32>
    %select_n3A = arith.select %eq3A_23, %broadcast_in_dim3A_24, %max3A : vector<1024x1000xi1>, vector<1024x1000xf32>
    %reduce_max3A_25 = arith.constant dense<0xFF800000> : vector<1000xf32>
    %reduce_max3A_26 = vector.multi_reduction <maximumf>, %select_n3A, %reduce_max3A_25 [0] : vector<1024x1000xf32> to vector<1000xf32>
    %broadcast_in_dim3A_27 = vector.shape_cast %reduce_max3A_26 : vector<1000xf32> to vector<1x1000xf32>
    %eq3A_28 = vector.broadcast %broadcast_in_dim3A_27 : vector<1x1000xf32> to vector<1024x1000xf32>
    %eq3A_29 = arith.cmpf oeq, %select_n3A, %eq3A_28 : vector<1024x1000xf32>
    %jit3A_30 = arith.constant 0xFF800000 : f32
    %broadcast_in_dim3A_31 = vector.broadcast %jit3A_30 : f32 to vector<1024x1000xf32>
    %select_n3A_32 = arith.select %eq3A_29, %broadcast_in_dim3A_31, %select_n3A : vector<1024x1000xi1>, vector<1024x1000xf32>
    %reduce_max3A_33 = arith.constant dense<0xFF800000> : vector<1000xf32>
    %reduce_max3A_34 = vector.multi_reduction <maximumf>, %select_n3A_32, %reduce_max3A_33 [0] : vector<1024x1000xf32> to vector<1000xf32>
    %broadcast_in_dim3A_35 = vector.shape_cast %reduce_max3A_34 : vector<1000xf32> to vector<1x1000xf32>
    %eq3A_36 = vector.broadcast %broadcast_in_dim3A_35 : vector<1x1000xf32> to vector<1024x1000xf32>
    %eq3A_37 = arith.cmpf oeq, %select_n3A_32, %eq3A_36 : vector<1024x1000xf32>
    %jit3A_38 = arith.constant 0xFF800000 : f32
    %broadcast_in_dim3A_39 = vector.broadcast %jit3A_38 : f32 to vector<1024x1000xf32>
    %select_n3A_40 = arith.select %eq3A_37, %broadcast_in_dim3A_39, %select_n3A_32 : vector<1024x1000xi1>, vector<1024x1000xf32>
    %reduce_max3A_41 = arith.constant dense<0xFF800000> : vector<1000xf32>
    %reduce_max3A_42 = vector.multi_reduction <maximumf>, %select_n3A_40, %reduce_max3A_41 [0] : vector<1024x1000xf32> to vector<1000xf32>
    %broadcast_in_dim3A_43 = vector.shape_cast %reduce_max3A_42 : vector<1000xf32> to vector<1x1000xf32>
    %eq3A_44 = vector.broadcast %broadcast_in_dim3A_43 : vector<1x1000xf32> to vector<1024x1000xf32>
    %eq3A_45 = arith.cmpf oeq, %select_n3A_40, %eq3A_44 : vector<1024x1000xf32>
    %jit3A_46 = arith.constant 0xFF800000 : f32
    %broadcast_in_dim3A_47 = vector.broadcast %jit3A_46 : f32 to vector<1024x1000xf32>
    %select_n3A_48 = arith.select %eq3A_45, %broadcast_in_dim3A_47, %select_n3A_40 : vector<1024x1000xi1>, vector<1024x1000xf32>
    %reduce_max3A_49 = arith.constant dense<0xFF800000> : vector<1000xf32>
    %reduce_max3A_50 = vector.multi_reduction <maximumf>, %select_n3A_48, %reduce_max3A_49 [0] : vector<1024x1000xf32> to vector<1000xf32>
    %broadcast_in_dim3A_51 = vector.shape_cast %reduce_max3A_50 : vector<1000xf32> to vector<1x1000xf32>
    %eq3A_52 = vector.broadcast %broadcast_in_dim3A_51 : vector<1x1000xf32> to vector<1024x1000xf32>
    %eq3A_53 = arith.cmpf oeq, %select_n3A_48, %eq3A_52 : vector<1024x1000xf32>
    %jit3A_54 = arith.constant 0xFF800000 : f32
    %broadcast_in_dim3A_55 = vector.broadcast %jit3A_54 : f32 to vector<1024x1000xf32>
    %select_n3A_56 = arith.select %eq3A_53, %broadcast_in_dim3A_55, %select_n3A_48 : vector<1024x1000xi1>, vector<1024x1000xf32>
    %reduce_max3A_57 = arith.constant dense<0xFF800000> : vector<1000xf32>
    %reduce_max3A_58 = vector.multi_reduction <maximumf>, %select_n3A_56, %reduce_max3A_57 [0] : vector<1024x1000xf32> to vector<1000xf32>
    %broadcast_in_dim3A_59 = vector.shape_cast %reduce_max3A_58 : vector<1000xf32> to vector<1x1000xf32>
    %eq3A_60 = vector.broadcast %broadcast_in_dim3A_59 : vector<1x1000xf32> to vector<1024x1000xf32>
    %eq3A_61 = arith.cmpf oeq, %select_n3A_56, %eq3A_60 : vector<1024x1000xf32>
    %jit3A_62 = arith.constant 0xFF800000 : f32
    %broadcast_in_dim3A_63 = vector.broadcast %jit3A_62 : f32 to vector<1024x1000xf32>
    %select_n3A_64 = arith.select %eq3A_61, %broadcast_in_dim3A_63, %select_n3A_56 : vector<1024x1000xi1>, vector<1024x1000xf32>
    %reduce_max3A_65 = arith.constant dense<0xFF800000> : vector<1000xf32>
    %reduce_max3A_66 = vector.multi_reduction <maximumf>, %select_n3A_64, %reduce_max3A_65 [0] : vector<1024x1000xf32> to vector<1000xf32>
    %broadcast_in_dim3A_67 = vector.shape_cast %reduce_max3A_66 : vector<1000xf32> to vector<1x1000xf32>
    %eq3A_68 = vector.broadcast %broadcast_in_dim3A_67 : vector<1x1000xf32> to vector<1024x1000xf32>
    %eq3A_69 = arith.cmpf oeq, %select_n3A_64, %eq3A_68 : vector<1024x1000xf32>
    %jit3A_70 = arith.constant 0xFF800000 : f32
    %broadcast_in_dim3A_71 = vector.broadcast %jit3A_70 : f32 to vector<1024x1000xf32>
    %select_n3A_72 = arith.select %eq3A_69, %broadcast_in_dim3A_71, %select_n3A_64 : vector<1024x1000xi1>, vector<1024x1000xf32>
    %reduce_max3A_73 = arith.constant dense<0xFF800000> : vector<1000xf32>
    %reduce_max3A_74 = vector.multi_reduction <maximumf>, %select_n3A_72, %reduce_max3A_73 [0] : vector<1024x1000xf32> to vector<1000xf32>
    %broadcast_in_dim3A_75 = vector.shape_cast %reduce_max3A_74 : vector<1000xf32> to vector<1x1000xf32>
    %eq3A_76 = vector.broadcast %broadcast_in_dim3A_75 : vector<1x1000xf32> to vector<1024x1000xf32>
    %eq3A_77 = arith.cmpf oeq, %select_n3A_72, %eq3A_76 : vector<1024x1000xf32>
    %jit3A_78 = arith.constant 0xFF800000 : f32
    %broadcast_in_dim3A_79 = vector.broadcast %jit3A_78 : f32 to vector<1024x1000xf32>
    %select_n3A_80 = arith.select %eq3A_77, %broadcast_in_dim3A_79, %select_n3A_72 : vector<1024x1000xi1>, vector<1024x1000xf32>
    %reduce_max3A_81 = arith.constant dense<0xFF800000> : vector<1000xf32>
    %reduce_max3A_82 = vector.multi_reduction <maximumf>, %select_n3A_80, %reduce_max3A_81 [0] : vector<1024x1000xf32> to vector<1000xf32>
    %broadcast_in_dim3A_83 = vector.shape_cast %reduce_max3A_82 : vector<1000xf32> to vector<1x1000xf32>
    %eq3A_84 = vector.broadcast %broadcast_in_dim3A_83 : vector<1x1000xf32> to vector<1024x1000xf32>
    %eq3A_85 = arith.cmpf oeq, %select_n3A_80, %eq3A_84 : vector<1024x1000xf32>
    %jit3A_86 = arith.constant 0xFF800000 : f32
    %broadcast_in_dim3A_87 = vector.broadcast %jit3A_86 : f32 to vector<1024x1000xf32>
    %select_n3A_88 = arith.select %eq3A_85, %broadcast_in_dim3A_87, %select_n3A_80 : vector<1024x1000xi1>, vector<1024x1000xf32>
    %reduce_max3A_89 = arith.constant dense<0xFF800000> : vector<1000xf32>
    %reduce_max3A_90 = vector.multi_reduction <maximumf>, %select_n3A_88, %reduce_max3A_89 [0] : vector<1024x1000xf32> to vector<1000xf32>
    %broadcast_in_dim3A_91 = vector.shape_cast %reduce_max3A_90 : vector<1000xf32> to vector<1x1000xf32>
    %eq3A_92 = vector.broadcast %broadcast_in_dim3A_91 : vector<1x1000xf32> to vector<1024x1000xf32>
    %eq3A_93 = arith.cmpf oeq, %select_n3A_88, %eq3A_92 : vector<1024x1000xf32>
    %jit3A_94 = arith.constant 0xFF800000 : f32
    %broadcast_in_dim3A_95 = vector.broadcast %jit3A_94 : f32 to vector<1024x1000xf32>
    %select_n3A_96 = arith.select %eq3A_93, %broadcast_in_dim3A_95, %select_n3A_88 : vector<1024x1000xi1>, vector<1024x1000xf32>
    %reduce_max3A_97 = arith.constant dense<0xFF800000> : vector<1000xf32>
    %reduce_max3A_98 = vector.multi_reduction <maximumf>, %select_n3A_96, %reduce_max3A_97 [0] : vector<1024x1000xf32> to vector<1000xf32>
    %broadcast_in_dim3A_99 = vector.shape_cast %reduce_max3A_98 : vector<1000xf32> to vector<1x1000xf32>
    %eq3A_100 = vector.broadcast %broadcast_in_dim3A_99 : vector<1x1000xf32> to vector<1024x1000xf32>
    %eq3A_101 = arith.cmpf oeq, %select_n3A_96, %eq3A_100 : vector<1024x1000xf32>
    %jit3A_102 = arith.constant 0xFF800000 : f32
    %broadcast_in_dim3A_103 = vector.broadcast %jit3A_102 : f32 to vector<1024x1000xf32>
    %select_n3A_104 = arith.select %eq3A_101, %broadcast_in_dim3A_103, %select_n3A_96 : vector<1024x1000xi1>, vector<1024x1000xf32>
    %reduce_max3A_105 = arith.constant dense<0xFF800000> : vector<1000xf32>
    %reduce_max3A_106 = vector.multi_reduction <maximumf>, %select_n3A_104, %reduce_max3A_105 [0] : vector<1024x1000xf32> to vector<1000xf32>
    %broadcast_in_dim3A_107 = vector.shape_cast %reduce_max3A_106 : vector<1000xf32> to vector<1x1000xf32>
    %ge3A = vector.broadcast %broadcast_in_dim3A_107 : vector<1x1000xf32> to vector<2048x1000xf32>
    %ge3A_108 = arith.cmpf oge, %mul3A, %ge3A : vector<2048x1000xf32>
    %convert_element_type3A = arith.extui %ge3A_108 : vector<2048x1000xi1> to vector<2048x1000xi32>
    %reduce_sum3A = arith.constant dense<0> : vector<1000xi32>
    %reduce_sum3A_109 = vector.multi_reduction <add>, %convert_element_type3A, %reduce_sum3A [0] : vector<2048x1000xi32> to vector<1000xi32>
    %while3A = arith.constant 0x7F800000 : f32
    %while3A_110:2 = scf.while (%while3A_132 = %reduce_max3A_106, %while3A_133 = %reduce_sum3A_109) : (vector<1000xf32>, vector<1000xi32>) -> (vector<1000xf32>, vector<1000xi32>) {
      %gt3A = arith.constant 12 : i32
      %gt3A_134 = vector.broadcast %gt3A : i32 to vector<1000xi32>
      %gt3A_135 = arith.cmpi sgt, %while3A_133, %gt3A_134 : vector<1000xi32>
      %reduce_or3A = arith.constant 1.000000e+00 : f32
      %reduce_or3A_136 = arith.constant 0.000000e+00 : f32
      %reduce_or3A_137 = vector.broadcast %reduce_or3A : f32 to vector<1000xf32>
      %reduce_or3A_138 = vector.broadcast %reduce_or3A_136 : f32 to vector<1000xf32>
      %reduce_or3A_139 = arith.select %gt3A_135, %reduce_or3A_137, %reduce_or3A_138 : vector<1000xi1>, vector<1000xf32>
      %reduce_or3A_140 = vector.shape_cast %reduce_or3A_139 : vector<1000xf32> to vector<1x1000xf32>
      %reduce_or3A_141 = arith.constant dense<0xFF800000> : vector<1xf32>
      %reduce_or3A_142 = vector.multi_reduction <maximumf>, %reduce_or3A_140, %reduce_or3A_141 [1] : vector<1x1000xf32> to vector<1xf32>
      %reduce_or3A_143 = vector.shape_cast %reduce_or3A_142 : vector<1xf32> to vector<1x1xf32>
      %reduce_or3A_144 = vector.extract %reduce_or3A_143[0, 0] : f32 from vector<1x1xf32>
      %reduce_or3A_145 = arith.constant 0.000000e+00 : f32
      %reduce_or3A_146 = arith.cmpf ogt, %reduce_or3A_144, %reduce_or3A_145 : f32
      scf.condition(%reduce_or3A_146) %while3A_132, %while3A_133 : vector<1000xf32>, vector<1000xi32>
    } do {
    ^bb0(%while3A_132: vector<1000xf32>, %while3A_133: vector<1000xi32>):
      %gt3A = arith.constant 12 : i32
      %gt3A_134 = vector.broadcast %gt3A : i32 to vector<1000xi32>
      %gt3A_135 = arith.cmpi sgt, %while3A_133, %gt3A_134 : vector<1000xi32>
      %broadcast_in_dim3A_136 = vector.shape_cast %while3A_132 : vector<1000xf32> to vector<1x1000xf32>
      %gt3A_137 = vector.broadcast %broadcast_in_dim3A_136 : vector<1x1000xf32> to vector<2048x1000xf32>
      %gt3A_138 = arith.cmpf ogt, %mul3A, %gt3A_137 : vector<2048x1000xf32>
      %broadcast_in_dim3A_139 = vector.broadcast %while3A : f32 to vector<2048x1000xf32>
      %select_n3A_140 = arith.select %gt3A_138, %mul3A, %broadcast_in_dim3A_139 : vector<2048x1000xi1>, vector<2048x1000xf32>
      %reduce_min3A_141 = arith.constant dense<0x7F800000> : vector<1000xf32>
      %reduce_min3A_142 = vector.multi_reduction <minimumf>, %select_n3A_140, %reduce_min3A_141 [0] : vector<2048x1000xf32> to vector<1000xf32>
      %select_n3A_143 = arith.select %gt3A_135, %reduce_min3A_142, %while3A_132 : vector<1000xi1>, vector<1000xf32>
      %broadcast_in_dim3A_144 = vector.shape_cast %select_n3A_143 : vector<1000xf32> to vector<1x1000xf32>
      %ge3A_145 = vector.broadcast %broadcast_in_dim3A_144 : vector<1x1000xf32> to vector<2048x1000xf32>
      %ge3A_146 = arith.cmpf oge, %mul3A, %ge3A_145 : vector<2048x1000xf32>
      %convert_element_type3A_147 = arith.extui %ge3A_146 : vector<2048x1000xi1> to vector<2048x1000xi32>
      %reduce_sum3A_148 = arith.constant dense<0> : vector<1000xi32>
      %reduce_sum3A_149 = vector.multi_reduction <add>, %convert_element_type3A_147, %reduce_sum3A_148 [0] : vector<2048x1000xi32> to vector<1000xi32>
      %select_n3A_150 = arith.select %gt3A_135, %reduce_sum3A_149, %while3A_133 : vector<1000xi1>, vector<1000xi32>
      scf.yield %select_n3A_143, %select_n3A_150 : vector<1000xf32>, vector<1000xi32>
    }
    %broadcast_in_dim3A_111 = vector.shape_cast %while3A_110#0 : vector<1000xf32> to vector<1x1000xf32>
    %ge3A_112 = vector.broadcast %broadcast_in_dim3A_111 : vector<1x1000xf32> to vector<2048x1000xf32>
    %ge3A_113 = arith.cmpf oge, %mul3A, %ge3A_112 : vector<2048x1000xf32>
    %jit3A_114 = arith.constant 0.000000e+00 : f32
    %broadcast_in_dim3A_115 = vector.broadcast %jit3A_114 : f32 to vector<2048x1000xf32>
    %select_n3A_116 = arith.select %ge3A_113, %mul3A, %broadcast_in_dim3A_115 : vector<2048x1000xi1>, vector<2048x1000xf32>
    %reduce_max3A_117 = arith.constant dense<0xFF800000> : vector<2048xf32>
    %reduce_max3A_118 = vector.multi_reduction <maximumf>, %select_n3A_116, %reduce_max3A_117 [1] : vector<2048x1000xf32> to vector<2048xf32>
    %iota3A = tpu.iota {dimensions = array<i32: 1>} : vector<2048x1000xi32>
    %broadcast_in_dim3A_119 = vector.shape_cast %reduce_max3A_118 : vector<2048xf32> to vector<2048x1xf32>
    %eq3A_120 = vector.broadcast %broadcast_in_dim3A_119 : vector<2048x1xf32> to vector<2048x1000xf32>
    %eq3A_121 = arith.cmpf oeq, %select_n3A_116, %eq3A_120 : vector<2048x1000xf32>
    %jit3A_122 = arith.constant 1073741824 : i32
    %broadcast_in_dim3A_123 = vector.broadcast %jit3A_122 : i32 to vector<2048x1000xi32>
    %select_n3A_124 = arith.select %eq3A_121, %iota3A, %broadcast_in_dim3A_123 : vector<2048x1000xi1>, vector<2048x1000xi32>
    %reduce_min3A = arith.constant dense<2147483647> : vector<2048xi32>
    %reduce_min3A_125 = vector.multi_reduction <minsi>, %select_n3A_124, %reduce_min3A [1] : vector<2048x1000xi32> to vector<2048xi32>
    %swap3A_126 = arith.constant 0 : index
    %swap3A_127 = arith.constant 0 : index
    %swap3A_128 = arith.constant 0 : index
    %swap3A_129 = vector.load %arg5[%swap3A_126, %swap3A_127, %swap3A_128] : memref<1x1x2048xi32, #tpu.memory_space<vmem>>, vector<1x1x2048xi32>
    %swap3A_130 = vector.shape_cast %swap3A_129 : vector<1x1x2048xi32> to vector<2048xi32>
    %swap3A_131 = vector.shape_cast %reduce_min3A_125 : vector<2048xi32> to vector<1x1x2048xi32>
    tpu.vector_store %arg5[%swap3A_126, %swap3A_127, %swap3A_128], %swap3A_131 {strides = array<i32>} : memref<1x1x2048xi32, #tpu.memory_space<vmem>>, vector<1x1x2048xi32>,
    return
  }
  func.func @transform_0(%arg0: i32) -> (i32, i32, i32) {
    %jit3A = arith.constant 4 : i32
    %eq3A = arith.constant 0 : i32
    %eq3A_0 = arith.cmpi eq, %jit3A, %eq3A : i32
    %jit3A_1 = arith.constant 1 : i32
    %select_n3A = arith.select %eq3A_0, %jit3A_1, %jit3A : i32
    %rem3A = arith.remsi %arg0, %select_n3A : i32
    %ne3A = arith.constant 0 : i32
    %ne3A_2 = arith.cmpi ne, %rem3A, %ne3A : i32
    %lt3A = arith.constant 0 : i32
    %lt3A_3 = arith.cmpi slt, %rem3A, %lt3A : i32
    %lt3A_4 = arith.constant 0 : i32
    %lt3A_5 = arith.cmpi slt, %select_n3A, %lt3A_4 : i32
    %ne3A_6 = arith.xori %lt3A_3, %lt3A_5 : i1
    %and3A = arith.andi %ne3A_6, %ne3A_2 : i1
    %add3A = arith.addi %rem3A, %select_n3A : i32
    %select_n3A_7 = arith.select %and3A, %add3A, %rem3A : i32
    %jit3A_8 = arith.constant 4 : i32
    %div3A = arith.divsi %arg0, %jit3A_8 : i32
    %sign3A = arith.constant 0 : i32
    %sign3A_9 = arith.cmpi sgt, %arg0, %sign3A : i32
    %sign3A_10 = arith.extui %sign3A_9 : i1 to i32
    %sign3A_11 = arith.constant 0 : i32
    %sign3A_12 = arith.cmpi slt, %arg0, %sign3A_11 : i32
    %sign3A_13 = arith.extui %sign3A_12 : i1 to i32
    %sign3A_14 = arith.subi %sign3A_10, %sign3A_13 : i32
    %sign3A_15 = arith.constant 0 : i32
    %sign3A_16 = arith.cmpi sgt, %jit3A_8, %sign3A_15 : i32
    %sign3A_17 = arith.extui %sign3A_16 : i1 to i32
    %sign3A_18 = arith.constant 0 : i32
    %sign3A_19 = arith.cmpi slt, %jit3A_8, %sign3A_18 : i32
    %sign3A_20 = arith.extui %sign3A_19 : i1 to i32
    %sign3A_21 = arith.subi %sign3A_17, %sign3A_20 : i32
    %ne3A_22 = arith.cmpi ne, %sign3A_14, %sign3A_21 : i32
    %rem3A_23 = arith.remsi %arg0, %jit3A_8 : i32
    %ne3A_24 = arith.constant 0 : i32
    %ne3A_25 = arith.cmpi ne, %rem3A_23, %ne3A_24 : i32
    %and3A_26 = arith.andi %ne3A_22, %ne3A_25 : i1
    %sub3A = arith.constant 1 : i32
    %sub3A_27 = arith.subi %div3A, %sub3A : i32
    %select_n3A_28 = arith.select %and3A_26, %sub3A_27, %div3A : i32
    %c0_i32 = arith.constant 0 : i32
    %c0_i32_29 = arith.constant 0 : i32
    return %select_n3A_7, %c0_i32, %select_n3A_28 : i32, i32, i32
  }
  func.func @transform_1(%arg0: i32) -> (i32, i32, i32) {
    %jit3A = arith.constant 4 : i32
    %div3A = arith.divsi %arg0, %jit3A : i32
    %sign3A = arith.constant 0 : i32
    %sign3A_0 = arith.cmpi sgt, %arg0, %sign3A : i32
    %sign3A_1 = arith.extui %sign3A_0 : i1 to i32
    %sign3A_2 = arith.constant 0 : i32
    %sign3A_3 = arith.cmpi slt, %arg0, %sign3A_2 : i32
    %sign3A_4 = arith.extui %sign3A_3 : i1 to i32
    %sign3A_5 = arith.subi %sign3A_1, %sign3A_4 : i32
    %sign3A_6 = arith.constant 0 : i32
    %sign3A_7 = arith.cmpi sgt, %jit3A, %sign3A_6 : i32
    %sign3A_8 = arith.extui %sign3A_7 : i1 to i32
    %sign3A_9 = arith.constant 0 : i32
    %sign3A_10 = arith.cmpi slt, %jit3A, %sign3A_9 : i32
    %sign3A_11 = arith.extui %sign3A_10 : i1 to i32
    %sign3A_12 = arith.subi %sign3A_8, %sign3A_11 : i32
    %ne3A = arith.cmpi ne, %sign3A_5, %sign3A_12 : i32
    %rem3A = arith.remsi %arg0, %jit3A : i32
    %ne3A_13 = arith.constant 0 : i32
    %ne3A_14 = arith.cmpi ne, %rem3A, %ne3A_13 : i32
    %and3A = arith.andi %ne3A, %ne3A_14 : i1
    %sub3A = arith.constant 1 : i32
    %sub3A_15 = arith.subi %div3A, %sub3A : i32
    %select_n3A = arith.select %and3A, %sub3A_15, %div3A : i32
    %c0_i32 = arith.constant 0 : i32
    %c0_i32_16 = arith.constant 0 : i32
    %c0_i32_17 = arith.constant 0 : i32
    return %select_n3A, %c0_i32, %c0_i32_16 : i32, i32, i32
  }
  func.func @transform_2(%arg0: i32) -> (i32, i32, i32, i32) {
    %jit3A = arith.constant 4 : i32
    %div3A = arith.divsi %arg0, %jit3A : i32
    %sign3A = arith.constant 0 : i32
    %sign3A_0 = arith.cmpi sgt, %arg0, %sign3A : i32
    %sign3A_1 = arith.extui %sign3A_0 : i1 to i32
    %sign3A_2 = arith.constant 0 : i32
    %sign3A_3 = arith.cmpi slt, %arg0, %sign3A_2 : i32
    %sign3A_4 = arith.extui %sign3A_3 : i1 to i32
    %sign3A_5 = arith.subi %sign3A_1, %sign3A_4 : i32
    %sign3A_6 = arith.constant 0 : i32
    %sign3A_7 = arith.cmpi sgt, %jit3A, %sign3A_6 : i32
    %sign3A_8 = arith.extui %sign3A_7 : i1 to i32
    %sign3A_9 = arith.constant 0 : i32
    %sign3A_10 = arith.cmpi slt, %jit3A, %sign3A_9 : i32
    %sign3A_11 = arith.extui %sign3A_10 : i1 to i32
    %sign3A_12 = arith.subi %sign3A_8, %sign3A_11 : i32
    %ne3A = arith.cmpi ne, %sign3A_5, %sign3A_12 : i32
    %rem3A = arith.remsi %arg0, %jit3A : i32
    %ne3A_13 = arith.constant 0 : i32
    %ne3A_14 = arith.cmpi ne, %rem3A, %ne3A_13 : i32
    %and3A = arith.andi %ne3A, %ne3A_14 : i1
    %sub3A = arith.constant 1 : i32
    %sub3A_15 = arith.subi %div3A, %sub3A : i32
    %select_n3A = arith.select %and3A, %sub3A_15, %div3A : i32
    %jit3A_16 = arith.constant 4 : i32
    %eq3A = arith.constant 0 : i32
    %eq3A_17 = arith.cmpi eq, %jit3A_16, %eq3A : i32
    %jit3A_18 = arith.constant 1 : i32
    %select_n3A_19 = arith.select %eq3A_17, %jit3A_18, %jit3A_16 : i32
    %rem3A_20 = arith.remsi %arg0, %select_n3A_19 : i32
    %ne3A_21 = arith.constant 0 : i32
    %ne3A_22 = arith.cmpi ne, %rem3A_20, %ne3A_21 : i32
    %lt3A = arith.constant 0 : i32
    %lt3A_23 = arith.cmpi slt, %rem3A_20, %lt3A : i32
    %lt3A_24 = arith.constant 0 : i32
    %lt3A_25 = arith.cmpi slt, %select_n3A_19, %lt3A_24 : i32
    %ne3A_26 = arith.xori %lt3A_23, %lt3A_25 : i1
    %and3A_27 = arith.andi %ne3A_26, %ne3A_22 : i1
    %add3A = arith.addi %rem3A_20, %select_n3A_19 : i32
    %select_n3A_28 = arith.select %and3A_27, %add3A, %rem3A_20 : i32
    %c0_i32 = arith.constant 0 : i32
    %c0_i32_29 = arith.constant 0 : i32
    %c0_i32_30 = arith.constant 0 : i32
    return %select_n3A, %select_n3A_28, %c0_i32, %c0_i32_29 : i32, i32, i32, i32
  }
  func.func @transform_3(%arg0: i32) -> (i32, i32, i32) {
    %c0_i32 = arith.constant 0 : i32
    %c0_i32_0 = arith.constant 0 : i32
    %c0_i32_1 = arith.constant 0 : i32
    return %arg0, %c0_i32, %c0_i32_0 : i32, i32, i32
  }
  func.func @transform_4(%arg0: i32) -> (i32, i32, i32) {
    %c0_i32 = arith.constant 0 : i32
    %c0_i32_0 = arith.constant 0 : i32
    %c0_i32_1 = arith.constant 0 : i32
    return %arg0, %c0_i32, %c0_i32_0 : i32, i32, i32
  }
}

</mosaic_0001>

<sc_bundles>
// kernel: kernel.4.cloned.1.call-start
scs
__scs_entry_jumppad:
0x0: {  	(pc) =	sbr.rel $0x88, $3  }
0x1: {  	(tag) =	ssettag $0x0;
	lr =	simm.s32 $0x1  }
0x2: {  	[smem:$0x3F9D] =	sst lr;
	_ =	strace $0xD0000000  }
0x3: {  	_ = 	snop  }
0x4: {  	_ = 	snop  }
0x5: {  	_ = 	snop  }
0x6: {  	_ = 	snop  }
0x7: {  	_ = 	snop  }
__scs_overlays_trampoline_lowered:
0x8: {  	[smem:$0x3FAC] =	sst s0  }
0x9: {  	[smem:$0x3FAD] =	sst s1  }
0xa: {  	[smem:$0x3FAE] =	sst s2  }
0xb: {  	[smem:$0x3FAF] =	sst s3  }
0xc: {  	[smem:$0x3FB0] =	sst s4  }
0xd: {  	[smem:$0x3FB1] =	sst s5  }
0xe: {  	[smem:$0x3FB2] =	sst s6  }
0xf: {  	[smem:$0x3FB3] =	sst s7  }
0x10: {  	[smem:$0x3FB4] =	sst s8  }
0x11: {  	[smem:$0x3FB5] =	sst s9;
	s0 =	simm.s32 @!p0 $0x0  }
0x12: {  	s1 =	sld [smem:$0x3F9B];
	s0 =	simm.s32 @p0 $0x1  }
0x13: {  	[smem:$0x3FB6] =	sst s0;
	s0 =	simm.s32 @!p1 $0x0  }
0x14: {  	s2 =	sld [smem:$0x3F9A];
	s0 =	simm.s32 @p1 $0x1  }
0x15: {  	[smem:$0x3FB7] =	sst s0;
	s0 =	simm.s32 @!p2 $0x0  }
0x16: {  	s3 =	sld [smem:$0x3FDB];
	s0 =	simm.s32 @p2 $0x1  }
0x17: {  	s4 =	simm.s32 $0x1BF5;
	[smem:$0x3FB9] =	sst s0  }
0x18: {  	s0 =	sld [smem:$0x3F9C];
	_ =	swait.ge [sflag:s4], $0x0  }
0x19: {  	s7 =	sld [smem:$0x3F9D]  }
0x1a: {  	s8 =	sadd.s32 $0xFFFFE003, lr  }
0x1b: {  	s9 =	sadd.s32 $0xFFFFFEF7, lr;
	s5 =	simm.s32 $0xFFFFFFFF;
	p2 =	slt.u32 s8, $0xFFFFF086  }
0x1c: {  	p1 =	slt.u32 s9, $0xF7A;
	s5 =	simm.s32 @!p2 $0x0  }
0x1d: {  	s5 =	simm.s32 @p1 $0x1;
	p0 =	seq.s32 s7, s2  }
0x1e: {  	s7 =	smul.u32 @!p0 $0xF7A, s2;
	p2 =	seq.s32 @!p0 s5, $0x0  }
0x1f: {  	s9 =	smul.u32 $0xF7A, s1;
	s8 =	simm.s32 @!p0 $0x1BF5;
	p2 =	por !p2, p0  }
0x20: {  	[sflag:s8] =	ssyncset.s32 @!p0 $0xFFFFF086;
	s6 =	sadd.s32 @!p0 s3, s7;
	s7 =	simm.s32 @!p0 $0x108  }
0x21: {  	s3 =	sadd.s32 s3, s9;
	s6 =	sadd.s32 @!p0 $0x88, s6;
	s7 =	simm.s32 @p2 $0x1082  }
0x22: {  	[simem:s7], [sflag:s8] =	dma.local @!p0 [hbm:s6], $0xF7A  }
0x23: {  	s9 =	sor.u32 $0xD0000000, s2;
	s6 =	simm.s32 $0x108;
	_ =	swait.ge @!p0 [sflag:s8], $0x0  }
0x24: {  	s3 =	sadd.s32 $0x88, s3;
	s6 =	simm.s32 @!p1 $0x1082;
	[sflag:s4] =	ssyncset.s32 $0xFFFFF086  }
0x25: {  	[simem:s6], [sflag:s4] =	dma.local [hbm:s3], $0xF7A  }
0x26: {  	[smem:$0x3F9D] =	sst s1;
	(tag) =	ssettag s2;
	_ =	strace s9  }
0x27: {  	s1 =	sld [smem:$0x3FAD]  }
0x28: {  	s2 =	sld [smem:$0x3FAE]  }
0x29: {  	s4 =	sld [smem:$0x3FB0]  }
0x2a: {  	p0 =	seq.s32 s5, $0x0;
	s5 =	sld [smem:$0x3FB1]  }
0x2b: {  	s6 =	sld [smem:$0x3FB2]  }
0x2c: {  	s7 =	sld [smem:$0x3FB3]  }
0x2d: {  	s3 =	simm.s32 $0x108;
	s8 =	sld [smem:$0x3FB4]  }
0x2e: {  	s3 =	simm.s32 @!p0 $0x1082;
	s9 =	sld [smem:$0x3FB5]  }
0x2f: {  	lr =	sadd.s32 s0, s3;
	s0 =	sld [smem:$0x3FAC]  }
0x30: {  	s3 =	sld [smem:$0x3FAF]  }
0x31: {  	[smem:$0x3FB8] =	sst s10  }
0x32: {  	s10 =	sld [smem:$0x3FB6];
	_ =	sdelay $0x3  }
0x33: {  	p0 =	seq.s32 s10, $0x1;
	s10 =	sld [smem:$0x3FB8];
	_ =	sdelay $0x3  }
0x34: {  	[smem:$0x3FB8] =	sst s10  }
0x35: {  	s10 =	sld [smem:$0x3FB7];
	_ =	sdelay $0x3  }
0x36: {  	p1 =	seq.s32 s10, $0x1;
	s10 =	sld [smem:$0x3FB8];
	_ =	sdelay $0x3  }
0x37: {  	[smem:$0x3FB8] =	sst s10  }
0x38: {  	s10 =	sld [smem:$0x3FB9]  }
0x39: {  	_ = 	snop;
	(pc) =	sbr.ind lr, $3  }
0x3a: {  	_ = 	snop  }
0x3b: {  	_ = 	snop  }
0x3c: {  	p2 =	seq.s32 s10, $0x1;
	s10 =	sld [smem:$0x3FB8]  }
0x3d: {  	_ =	shalt  }
0x3e: {  	_ =	shalt  }
0x3f: {  	_ =	shalt  }
0x40: {  	_ =	shalt  }
0x41: {  	_ =	shalt  }
0x42: {  	_ =	shalt  }
0x43: {  	_ =	shalt  }
0x44: {  	_ =	shalt  }
0x45: {  	_ =	shalt  }
0x46: {  	_ =	shalt  }
0x47: {  	_ =	shalt  }
0x48: {  	_ =	shalt  }
0x49: {  	_ =	shalt  }
0x4a: {  	_ =	shalt  }
0x4b: {  	_ =	shalt  }
0x4c: {  	_ =	shalt  }
0x4d: {  	_ =	shalt  }
0x4e: {  	_ =	shalt  }
0x4f: {  	_ =	shalt  }
0x50: {  	_ =	shalt  }
0x51: {  	_ =	shalt  }
0x52: {  	_ =	shalt  }
0x53: {  	_ =	shalt  }
0x54: {  	_ =	shalt  }
0x55: {  	_ =	shalt  }
0x56: {  	_ =	shalt  }
0x57: {  	_ =	shalt  }
0x58: {  	_ =	shalt  }
0x59: {  	_ =	shalt  }
0x5a: {  	_ =	shalt  }
0x5b: {  	_ =	shalt  }
0x5c: {  	_ =	shalt  }
0x5d: {  	_ =	shalt  }
0x5e: {  	_ =	shalt  }
0x5f: {  	_ =	shalt  }
0x60: {  	_ =	shalt  }
0x61: {  	_ =	shalt  }
0x62: {  	_ =	shalt  }
0x63: {  	_ =	shalt  }
0x64: {  	_ =	shalt  }
0x65: {  	_ =	shalt  }
0x66: {  	_ =	shalt  }
0x67: {  	_ =	shalt  }
0x68: {  	_ =	shalt  }
0x69: {  	_ =	shalt  }
0x6a: {  	_ =	shalt  }
0x6b: {  	_ =	shalt  }
0x6c: {  	_ =	shalt  }
0x6d: {  	_ =	shalt  }
0x6e: {  	_ =	shalt  }
0x6f: {  	_ =	shalt  }
0x70: {  	_ =	shalt  }
0x71: {  	_ =	shalt  }
0x72: {  	_ =	shalt  }
0x73: {  	_ =	shalt  }
0x74: {  	_ =	shalt  }
0x75: {  	_ =	shalt  }
0x76: {  	_ =	shalt  }
0x77: {  	_ =	shalt  }
0x78: {  	_ =	shalt  }
0x79: {  	_ =	shalt  }
0x7a: {  	_ =	shalt  }
0x7b: {  	_ =	shalt  }
0x7c: {  	_ =	shalt  }
0x7d: {  	_ =	shalt  }
0x7e: {  	_ =	shalt  }
0x7f: {  	_ =	shalt  }
0x80: {  	_ =	shalt  }
0x81: {  	_ =	shalt  }
0x82: {  	_ =	shalt  }
0x83: {  	_ =	shalt  }
0x84: {  	_ =	shalt  }
0x85: {  	_ =	shalt  }
0x86: {  	_ =	shalt  }
0x87: {  	_ =	shalt  }
.Lfunc_end0:
.L_simem_size_0:
called_computation.1_lowered:
.L_overlay_start_0:
0x88: {  	s2 =	sld [smem:$0x3FD9]  }
0x89: {  	s3 =	sld [smem:$0x3FFE];
	_ =	sdelay $0x1  }
0x8a: {  	s1 =	srdreg.scid  }
0x8b: {  	s0 =	sand.u32 $0x1, s1  }
0x8c: {  	s14 =	sshll.u32 s0, $0xA;
	s2 =	sadd.s32 s3, s2  }
0x8d: {  	s2 =	sadd.s32 s2, s14  }
0x8e: {  	[smem:$0x3FC4] =	sst s2  }
0x8f: {  	_ = 	snop  }
0x90: {  	s2 =	sld [smem:$0x3FD0];
	_ =	sdelay $0x2  }
0x91: {  	s15 =	simm.s32 $0xB;
	s4 =	simm.s32 $0x10  }
0x92: {  	[smem:s4], [sflag:s15] =	dma.local [hbm:s2], $0x1  }
0x93: {  	_ =	swait.eq [sflag:s15], $0x1  }
0x94: {  	[sflag:s15] =	ssyncset.done $0x0  }
0x95: {  	[sflag:s15] =	ssyncadd.s32 $0xFFFFFFFF  }
0x96: {  	s16 =	sld [smem:$0x11];
	(tm) =	ssettm $0x1  }
0x97: {  	s17 =	sld [smem:$0x3FFB];
	_ =	sdelay $0x3  }
0x98: {  	_ =	strace s17  }
0x99: {  	s3 =	sld [smem:$0x3FFC];
	_ =	sdelay $0x3  }
0x9a: {  	_ =	strace s3  }
0x9b: {  	s3 =	sld [smem:$0x3FFD];
	_ =	sdelay $0x3  }
0x9c: {  	_ =	strace s3  }
0x9d: {  	_ =	strace $0x8FFFFFFF  }
0x9e: {  	s18 =	sld [smem:$0x3FDB];
	_ =	sdelay $0x1  }
0x9f: {  	s19 =	simm.s32 $_scs_section_size  }
0xa0: {  	s5 =	simm.s32 $_size__tile_overlayer_lowered;
	s6 =	simm.s32 $_tile_overlayer_lowered  }
0xa1: {  	s22 =	simm.s32 $0x1BFF;
	s21 =	sshll.u32 s6, $0x1;
	s3 =	sadd.s32 s19, s18  }
0xa2: {  	s7 =	simm.s32 $0x0;
	s20 =	sshll.u32 s5, $0x1;
	s5 =	sadd.s32 s21, s3  }
0xa3: {  	[timem:s7], [sflag:s22] =	dma.local [hbm:s5], s20  }
0xa4: {  	_ =	swait.ge [sflag:s22], s20  }
0xa5: {  	s4 =	ssub.s32 $0x0, s20;
	[sflag:s22] =	ssyncset.done $0x0  }
0xa6: {  	[sflag:s22] =	ssyncadd.s32 s4;
	_ =	sdelay $0x1  }
0xa7: {  	s23 =	simm.s32 $0x1B8B  }
0xa8: {  	_ =	swait.ge [sflag:s23], $0x1  }
0xa9: {  	[sflag:s23] =	ssyncset.done $0x0  }
0xaa: {  	s25 =	simm.s32 $0x1B8E;
	s24 =	sld [smem:$0x3FFE];
	[sflag:s23] =	ssyncadd.s32 $0xFFFFFFFF  }
0xab: {  	s26 =	simm.s32 $execute0_lowered;
	[smem:$0x3FD2] =	sst s25  }
0xac: {  	s5 =	sshll.u32 s26, $0x1;
	_ =	strace $0x80000046;
	[dreg:$0x1] =	wrdreg $0xFFFFFFFF  }
0xad: {  	s28 =	simm.s32 $_size_execute0_lowered;
	s3 =	sadd.s32 s3, s5;
	[dreg:$0x0] =	wrdreg $0x0  }
0xae: {  	s5 =	sshll.u32 s28, $0x1;
	[dreg:$0x2] =	wrdreg s3  }
0xaf: {  	[dreg:$0x3] =	wrdreg s5  }
0xb0: {  	[dreg:$0x4] =	wrdreg $0xC0  }
0xb1: {  	_ =	task [dreg:s7], $0x5FFFF  }
0xb2: {  	[dreg:$0x1] =	wrdreg $0xFFFFFFFF  }
0xb3: {  	[dreg:$0x0] =	wrdreg $0x60  }
0xb4: {  	[dreg:$0x2] =	wrdreg s24  }
0xb5: {  	[dreg:$0x3] =	wrdreg s16  }
0xb6: {  	[dreg:$0x4] =	wrdreg $0xA  }
0xb7: {  	_ =	task.clear_ibuf [dreg:s7], $0x5FFFF;
	_ =	strace $0x90000046  }
0xb8: {  	s29 =	simm.s32 $0xA;
	_ =	strace $0x80000048  }
0xb9: {  	_ =	swait.ge [sflag:s29], $0x1  }
0xba: {  	[sflag:s29] =	ssyncadd.s32 $0xFFFFFFFF  }
0xbb: {  	_ =	strace $0x90000048  }
0xbc: {  	_ =	sfence  }
0xbd: {  	s30 =	sld [smem:$0x0];
	_ =	sdelay $0x2  }
0xbe: {  	s31 =	sshll.u32 s1, $0xD;
	s1 =	sshrl.u32 s1, $0x2  }
0xbf: {  	s3 =	sand.u32 $0x4000, s31;
	s1 =	sadd.s32 s1, s30  }
0xc0: {  	s0 =	sor.u32 s3, s0;
	s1 =	sshll.u32 s1, $0x11  }
0xc1: {  	s0 =	sor.u32 s1, s0  }
0xc2: {  	s0 =	sadd.s32 $0x8F2B, s0  }
0xc3: {  	[sflag:s0] =	ssyncadd.remote.s32 $0x1  }
0xc4: {  	_ =	sfence.sel $0xFFFF  }
0xc5: {  	[dreg:$0x0] =	wrdreg $0xFFFFFFFF;
	(pc) =	sbr.abs _section_cstart, $3  }
0xc6: {  	[dreg:$0x1] =	wrdreg $0xFFFFFFFF  }
0xc7: {  	_ =	task.clear_ibuf [dreg:s7], $0x2FFFF;
	_ =	strace $0x9FFFFFFF  }
0xc8: {  	(tm) =	ssettm $0x7FFFFFFF  }
0xc9: {  	_ =	shalt  }
tec
execute0_lowered:
.L_overlay_start_1:
0x0: {  	(tag) =	ssettag $0x1  }
0x1: {  	s0 =	rddreg [dreg:$0x0]  }
0x2: {  	s11 =	rddreg [dreg:$0x1]  }
0x3: {  	s3 =	srdreg.scid;
	s1 =	stileid.u32  }
0x4: {  	s2 =	simm.s32 $0x0;
	s15 =	simm.s32 $0x80;
	s28 =	simm.s32 $0x6080  }
0x5: {  	s29 =	simm.s32 $0x6880;
	s30 =	simm.s32 $0x7080;
	s31 =	simm.s32 $0x7880  }
0x6: {  	s4 =	sand.u32 $0x1, s3;
	s16 =	sshll.u32 s1, $0x1;
	[smem:$0x7FF] =	sst s2  }
0x7: {  	s3 =	sadd.s32 $0xE00, s0;
	s0 =	sadd.s32 $0x318600, s0;
	s5 =	sor.u32 s4, s16  }
0x8: {  	_ =	strace $0x80000047;
	s4 =	ssub.s32 $0x2, s4;
	s10 =	smul.u32 $0x300, s5  }
0x9: {  	s16 =	simm.s32 $0x880;
	s5 =	smul.u32 $0x6000, s5;
	s7 =	sshrl.u32 s4, $0x1  }
0xa: {  	s13 =	ssub.s32 s4, s7;
	s6 =	sshrl.u32 s10, $0x3;
	s8 =	sor.u32 $0x80, s10  }
0xb: {  	s5 =	sadd.s32 s0, s5;
	s20 =	sadd.s32 $0x100, s10;
	s23 =	sadd.s32 $0x180, s10  }
0xc: {  	s12 =	sadd.s32 $0x200, s10;
	s14 =	sadd.s32 $0x280, s10;
	s13 =	smax.u32 s13, $0x1  }
0xd: {  	s6 =	sadd.s32 s11, s6;
	s17 =	sshrl.u32 s8, $0x3;
	[dreg:$0x4] =	wrdreg s5  }
0xe: {  	s19 =	sshll.u32 s8, $0x5;
	s21 =	sshrl.u32 s20, $0x3;
	s22 =	sshll.u32 s20, $0x5  }
0xf: {  	s24 =	sshrl.u32 s23, $0x3;
	s9 =	sshll.u32 s23, $0x5;
	s25 =	sshrl.u32 s12, $0x3  }
0x10: {  	s12 =	sshll.u32 s12, $0x5;
	s26 =	sshrl.u32 s14, $0x3;
	s14 =	sshll.u32 s14, $0x5  }
0x11: {  	s20 =	simm.s32 $0x2880;
	s23 =	simm.s32 $0x4080;
	[dreg:$0x3] =	wrdreg s6  }
0x12: {  	s18 =	sadd.s32 s11, s17;
	s4 =	sadd.s32 s0, s19;
	s5 =	sadd.s32 s11, s21  }
0x13: {  	s6 =	sadd.s32 s0, s22;
	s7 =	sadd.s32 s11, s24;
	s8 =	sadd.s32 s0, s9  }
0x14: {  	s9 =	sadd.s32 s11, s25;
	s10 =	sadd.s32 s0, s12;
	s11 =	sadd.s32 s11, s26  }
0x15: {  	s12 =	sadd.s32 s0, s14;
	s14 =	simm.s32 $0x2;
	s17 =	simm.s32 $0x1080  }
0x16: {  	v2 =	vlaneseq.u32;
	s19 =	simm.s32 $0x2080;
	s21 =	simm.s32 $0x3080;
	s22 =	simm.s32 $0x3880  }
0x17: {  	vm0 =	vmmov $0xffff;
	v1 =	vshrl.u32 v2, $0x3;
	s24 =	simm.s32 $0x4880;
	s25 =	simm.s32 $0x5080;
	s26 =	simm.s32 $0x5880  }
0x18: {  	v0 =	vand.u32 $0x7, v2;
	v2 =	vor.u32 $0x8, v2;
	v1 =	vmul.u32 $0x8, v1;
	s0 =	simm.s32 $0x1;
	[dreg:$0x5] =	wrdreg s18;
	s18 =	simm.s32 $0x1880  }
.LBB2_1:
0x19: {  	s1 =	rddreg [dreg:$0x3]  }
0x1a: {  	[tilespmem:s2], [sflag:$0x2] =	stream.linear.gather [hbm4b:s1+s2], $0x80, $0x38;
	[tilespmem:$0x8080] =	vst v63  }
0x1b: {  	_ =	swait.ge [sflag:s14], $0x80  }
0x1c: {  	[sflag:s14] =	ssyncset.done $0x0  }
0x1d: {  	[sflag:s14] =	ssyncadd.s32 $0xFFFFFF80  }
0x1e: {  	v3 =	vld [tilespmem:$0x0];
	_ =	sdelay $0x4  }
0x1f: {  	v4 =	vshll.u32 v3, $0x1  }
0x20: {  	v3 =	vand.u32 $0x7, v3;
	v4 =	vand.u32 $0xFFFFFFF0, v4  }
0x21: {  	v3 =	vor.u32 v3, v4  }
0x22: {  	v4 =	vperm.xlane v3, v0;
	_ =	sdelay $0x1  }
0x23: {  	v3 =	vperm.xlane v3, v2;
	v4 =	vadd.s32 v1, v4;
	_ =	sdelay $0x1  }
0x24: {  	v3 =	vadd.s32 v1, v3;
	_ =	sdelay $0x2  }
0x25: {  	[tilespmem:s15], [sflag:$0x1] =	stream.indirect_vreg.gather [hbm4b:s3+s2], $0x80, v4, vm0, $0xb8;
	[tilespmem:$0x8080] =	vst v63  }
0x26: {  	_ = 	snop  }
0x27: {  	[tilespmem:s16], [sflag:$0x1] =	stream.indirect_vreg.gather [hbm4b:s3+s2], $0x80, v3, vm0, $0xb8;
	[tilespmem:$0x8080] =	vst v63  }
0x28: {  	v3 =	vld [tilespmem:$0x10];
	_ =	sdelay $0x4  }
0x29: {  	v17 =	vshll.u32 v3, $0x1  }
0x2a: {  	v3 =	vand.u32 $0x7, v3;
	v4 =	vand.u32 $0xFFFFFFF0, v17  }
0x2b: {  	v3 =	vor.u32 v3, v4  }
0x2c: {  	v4 =	vperm.xlane v3, v0;
	_ =	sdelay $0x1  }
0x2d: {  	v3 =	vperm.xlane v3, v2;
	v4 =	vadd.s32 v1, v4;
	_ =	sdelay $0x1  }
0x2e: {  	v3 =	vadd.s32 v1, v3;
	_ =	sdelay $0x2  }
0x2f: {  	[tilespmem:s17], [sflag:$0x1] =	stream.indirect_vreg.gather [hbm4b:s3+s2], $0x80, v4, vm0, $0xb8;
	[tilespmem:$0x8080] =	vst v63  }
0x30: {  	_ = 	snop  }
0x31: {  	[tilespmem:s18], [sflag:$0x1] =	stream.indirect_vreg.gather [hbm4b:s3+s2], $0x80, v3, vm0, $0xb8;
	[tilespmem:$0x8080] =	vst v63  }
0x32: {  	v3 =	vld [tilespmem:$0x20];
	_ =	sdelay $0x4  }
0x33: {  	v18 =	vshll.u32 v3, $0x1  }
0x34: {  	v3 =	vand.u32 $0x7, v3;
	v4 =	vand.u32 $0xFFFFFFF0, v18  }
0x35: {  	v3 =	vor.u32 v3, v4  }
0x36: {  	v4 =	vperm.xlane v3, v0;
	_ =	sdelay $0x1  }
0x37: {  	v3 =	vperm.xlane v3, v2;
	v4 =	vadd.s32 v1, v4;
	_ =	sdelay $0x1  }
0x38: {  	v3 =	vadd.s32 v1, v3;
	_ =	sdelay $0x2  }
0x39: {  	[tilespmem:s19], [sflag:$0x1] =	stream.indirect_vreg.gather [hbm4b:s3+s2], $0x80, v4, vm0, $0xb8;
	[tilespmem:$0x8080] =	vst v63  }
0x3a: {  	_ = 	snop  }
0x3b: {  	[tilespmem:s20], [sflag:$0x1] =	stream.indirect_vreg.gather [hbm4b:s3+s2], $0x80, v3, vm0, $0xb8;
	[tilespmem:$0x8080] =	vst v63  }
0x3c: {  	v3 =	vld [tilespmem:$0x30];
	_ =	sdelay $0x4  }
0x3d: {  	v19 =	vshll.u32 v3, $0x1  }
0x3e: {  	v3 =	vand.u32 $0x7, v3;
	v4 =	vand.u32 $0xFFFFFFF0, v19  }
0x3f: {  	v3 =	vor.u32 v3, v4  }
0x40: {  	v4 =	vperm.xlane v3, v0;
	_ =	sdelay $0x1  }
0x41: {  	v3 =	vperm.xlane v3, v2;
	v4 =	vadd.s32 v1, v4;
	_ =	sdelay $0x1  }
0x42: {  	v3 =	vadd.s32 v1, v3;
	_ =	sdelay $0x2  }
0x43: {  	[tilespmem:s21], [sflag:$0x1] =	stream.indirect_vreg.gather [hbm4b:s3+s2], $0x80, v4, vm0, $0xb8;
	[tilespmem:$0x8080] =	vst v63  }
0x44: {  	_ = 	snop  }
0x45: {  	[tilespmem:s22], [sflag:$0x1] =	stream.indirect_vreg.gather [hbm4b:s3+s2], $0x80, v3, vm0, $0xb8;
	[tilespmem:$0x8080] =	vst v63  }
0x46: {  	v3 =	vld [tilespmem:$0x40];
	_ =	sdelay $0x4  }
0x47: {  	v20 =	vshll.u32 v3, $0x1  }
0x48: {  	v3 =	vand.u32 $0x7, v3;
	v4 =	vand.u32 $0xFFFFFFF0, v20  }
0x49: {  	v3 =	vor.u32 v3, v4  }
0x4a: {  	v4 =	vperm.xlane v3, v0;
	_ =	sdelay $0x1  }
0x4b: {  	v3 =	vperm.xlane v3, v2;
	v4 =	vadd.s32 v1, v4;
	_ =	sdelay $0x1  }
0x4c: {  	v3 =	vadd.s32 v1, v3;
	_ =	sdelay $0x2  }
0x4d: {  	[tilespmem:s23], [sflag:$0x1] =	stream.indirect_vreg.gather [hbm4b:s3+s2], $0x80, v4, vm0, $0xb8;
	[tilespmem:$0x8080] =	vst v63  }
0x4e: {  	_ = 	snop  }
0x4f: {  	[tilespmem:s24], [sflag:$0x1] =	stream.indirect_vreg.gather [hbm4b:s3+s2], $0x80, v3, vm0, $0xb8;
	[tilespmem:$0x8080] =	vst v63  }
0x50: {  	v3 =	vld [tilespmem:$0x50];
	_ =	sdelay $0x4  }
0x51: {  	v21 =	vshll.u32 v3, $0x1  }
0x52: {  	v3 =	vand.u32 $0x7, v3;
	v4 =	vand.u32 $0xFFFFFFF0, v21  }
0x53: {  	v3 =	vor.u32 v3, v4  }
0x54: {  	v4 =	vperm.xlane v3, v0;
	_ =	sdelay $0x1  }
0x55: {  	v3 =	vperm.xlane v3, v2;
	v4 =	vadd.s32 v1, v4;
	_ =	sdelay $0x1  }
0x56: {  	v3 =	vadd.s32 v1, v3;
	_ =	sdelay $0x2  }
0x57: {  	[tilespmem:s25], [sflag:$0x1] =	stream.indirect_vreg.gather [hbm4b:s3+s2], $0x80, v4, vm0, $0xb8;
	[tilespmem:$0x8080] =	vst v63  }
0x58: {  	_ = 	snop  }
0x59: {  	[tilespmem:s26], [sflag:$0x1] =	stream.indirect_vreg.gather [hbm4b:s3+s2], $0x80, v3, vm0, $0xb8;
	[tilespmem:$0x8080] =	vst v63  }
0x5a: {  	v3 =	vld [tilespmem:$0x60];
	_ =	sdelay $0x4  }
0x5b: {  	v22 =	vshll.u32 v3, $0x1  }
0x5c: {  	v3 =	vand.u32 $0x7, v3;
	v4 =	vand.u32 $0xFFFFFFF0, v22  }
0x5d: {  	v3 =	vor.u32 v3, v4  }
0x5e: {  	v4 =	vperm.xlane v3, v0;
	_ =	sdelay $0x1  }
0x5f: {  	v3 =	vperm.xlane v3, v2;
	v4 =	vadd.s32 v1, v4;
	_ =	sdelay $0x1  }
0x60: {  	v3 =	vadd.s32 v1, v3;
	_ =	sdelay $0x2  }
0x61: {  	[tilespmem:s28], [sflag:$0x1] =	stream.indirect_vreg.gather [hbm4b:s3+s2], $0x80, v4, vm0, $0xb8;
	[tilespmem:$0x8080] =	vst v63  }
0x62: {  	_ = 	snop  }
0x63: {  	[tilespmem:s29], [sflag:$0x1] =	stream.indirect_vreg.gather [hbm4b:s3+s2], $0x80, v3, vm0, $0xb8;
	[tilespmem:$0x8080] =	vst v63  }
0x64: {  	v3 =	vld [tilespmem:$0x70];
	_ =	sdelay $0x4  }
0x65: {  	v23 =	vshll.u32 v3, $0x1  }
0x66: {  	v3 =	vand.u32 $0x7, v3;
	v4 =	vand.u32 $0xFFFFFFF0, v23  }
0x67: {  	v3 =	vor.u32 v3, v4  }
0x68: {  	v4 =	vperm.xlane v3, v0;
	_ =	sdelay $0x1  }
0x69: {  	v3 =	vperm.xlane v3, v2;
	v4 =	vadd.s32 v1, v4;
	_ =	sdelay $0x1  }
0x6a: {  	v3 =	vadd.s32 v1, v3;
	_ =	sdelay $0x2  }
0x6b: {  	[tilespmem:s30], [sflag:$0x1] =	stream.indirect_vreg.gather [hbm4b:s3+s2], $0x80, v4, vm0, $0xb8;
	[tilespmem:$0x8080] =	vst v63  }
0x6c: {  	_ = 	snop  }
0x6d: {  	[tilespmem:s31], [sflag:$0x1] =	stream.indirect_vreg.gather [hbm4b:s3+s2], $0x80, v3, vm0, $0xb8;
	[tilespmem:$0x8080] =	vst v63  }
0x6e: {  	_ =	swait.ge [sflag:s0], $0x8000  }
0x6f: {  	[sflag:s0] =	ssyncset.done $0x0  }
0x70: {  	s1 =	rddreg [dreg:$0x4];
	[sflag:s0] =	ssyncadd.s32 $0xFFFF8000  }
0x71: {  	[hbm4b:s1+s2] =	stream.linear.scatter [tilespmem:s15], [sflag:$0x2], $0x8000, $0x38;
	[tilespmem:$0x8080] =	vst v63  }
0x72: {  	_ =	swait.ge [sflag:s14], $0x8000  }
0x73: {  	[sflag:s14] =	ssyncset.done $0x0  }
0x74: {  	s1 =	rddreg [dreg:$0x5];
	[sflag:s14] =	ssyncadd.s32 $0xFFFF8000  }
0x75: {  	[tilespmem:s2], [sflag:$0x2] =	stream.linear.gather [hbm4b:s1+s2], $0x80, $0x38;
	[tilespmem:$0x8080] =	vst v63  }
0x76: {  	_ =	swait.ge [sflag:s14], $0x80  }
0x77: {  	[sflag:s14] =	ssyncset.done $0x0  }
0x78: {  	[sflag:s14] =	ssyncadd.s32 $0xFFFFFF80  }
0x79: {  	v3 =	vld [tilespmem:$0x0];
	_ =	sdelay $0x4  }
0x7a: {  	v24 =	vshll.u32 v3, $0x1  }
0x7b: {  	v3 =	vand.u32 $0x7, v3;
	v4 =	vand.u32 $0xFFFFFFF0, v24  }
0x7c: {  	v3 =	vor.u32 v3, v4  }
0x7d: {  	v4 =	vperm.xlane v3, v0;
	_ =	sdelay $0x1  }
0x7e: {  	v3 =	vperm.xlane v3, v2;
	v4 =	vadd.s32 v1, v4;
	_ =	sdelay $0x1  }
0x7f: {  	v3 =	vadd.s32 v1, v3;
	_ =	sdelay $0x2  }
0x80: {  	[tilespmem:s15], [sflag:$0x1] =	stream.indirect_vreg.gather [hbm4b:s3+s2], $0x80, v4, vm0, $0xb8;
	[tilespmem:$0x8080] =	vst v63  }
0x81: {  	_ = 	snop  }
0x82: {  	[tilespmem:s16], [sflag:$0x1] =	stream.indirect_vreg.gather [hbm4b:s3+s2], $0x80, v3, vm0, $0xb8;
	[tilespmem:$0x8080] =	vst v63  }
0x83: {  	v3 =	vld [tilespmem:$0x10];
	_ =	sdelay $0x4  }
0x84: {  	v25 =	vshll.u32 v3, $0x1  }
0x85: {  	v3 =	vand.u32 $0x7, v3;
	v4 =	vand.u32 $0xFFFFFFF0, v25  }
0x86: {  	v3 =	vor.u32 v3, v4  }
0x87: {  	v4 =	vperm.xlane v3, v0;
	_ =	sdelay $0x1  }
0x88: {  	v3 =	vperm.xlane v3, v2;
	v4 =	vadd.s32 v1, v4;
	_ =	sdelay $0x1  }
0x89: {  	v3 =	vadd.s32 v1, v3;
	_ =	sdelay $0x2  }
0x8a: {  	[tilespmem:s17], [sflag:$0x1] =	stream.indirect_vreg.gather [hbm4b:s3+s2], $0x80, v4, vm0, $0xb8;
	[tilespmem:$0x8080] =	vst v63  }
0x8b: {  	_ = 	snop  }
0x8c: {  	[tilespmem:s18], [sflag:$0x1] =	stream.indirect_vreg.gather [hbm4b:s3+s2], $0x80, v3, vm0, $0xb8;
	[tilespmem:$0x8080] =	vst v63  }
0x8d: {  	v3 =	vld [tilespmem:$0x20];
	_ =	sdelay $0x4  }
0x8e: {  	v26 =	vshll.u32 v3, $0x1  }
0x8f: {  	v3 =	vand.u32 $0x7, v3;
	v4 =	vand.u32 $0xFFFFFFF0, v26  }
0x90: {  	v3 =	vor.u32 v3, v4  }
0x91: {  	v4 =	vperm.xlane v3, v0;
	_ =	sdelay $0x1  }
0x92: {  	v3 =	vperm.xlane v3, v2;
	v4 =	vadd.s32 v1, v4;
	_ =	sdelay $0x1  }
0x93: {  	v3 =	vadd.s32 v1, v3;
	_ =	sdelay $0x2  }
0x94: {  	[tilespmem:s19], [sflag:$0x1] =	stream.indirect_vreg.gather [hbm4b:s3+s2], $0x80, v4, vm0, $0xb8;
	[tilespmem:$0x8080] =	vst v63  }
0x95: {  	_ = 	snop  }
0x96: {  	[tilespmem:s20], [sflag:$0x1] =	stream.indirect_vreg.gather [hbm4b:s3+s2], $0x80, v3, vm0, $0xb8;
	[tilespmem:$0x8080] =	vst v63  }
0x97: {  	v3 =	vld [tilespmem:$0x30];
	_ =	sdelay $0x4  }
0x98: {  	v27 =	vshll.u32 v3, $0x1  }
0x99: {  	v3 =	vand.u32 $0x7, v3;
	v4 =	vand.u32 $0xFFFFFFF0, v27  }
0x9a: {  	v3 =	vor.u32 v3, v4  }
0x9b: {  	v4 =	vperm.xlane v3, v0;
	_ =	sdelay $0x1  }
0x9c: {  	v3 =	vperm.xlane v3, v2;
	v4 =	vadd.s32 v1, v4;
	_ =	sdelay $0x1  }
0x9d: {  	v3 =	vadd.s32 v1, v3;
	_ =	sdelay $0x2  }
0x9e: {  	[tilespmem:s21], [sflag:$0x1] =	stream.indirect_vreg.gather [hbm4b:s3+s2], $0x80, v4, vm0, $0xb8;
	[tilespmem:$0x8080] =	vst v63  }
0x9f: {  	_ = 	snop  }
0xa0: {  	[tilespmem:s22], [sflag:$0x1] =	stream.indirect_vreg.gather [hbm4b:s3+s2], $0x80, v3, vm0, $0xb8;
	[tilespmem:$0x8080] =	vst v63  }
0xa1: {  	v3 =	vld [tilespmem:$0x40];
	_ =	sdelay $0x4  }
0xa2: {  	v28 =	vshll.u32 v3, $0x1  }
0xa3: {  	v3 =	vand.u32 $0x7, v3;
	v4 =	vand.u32 $0xFFFFFFF0, v28  }
0xa4: {  	v3 =	vor.u32 v3, v4  }
0xa5: {  	v4 =	vperm.xlane v3, v0;
	_ =	sdelay $0x1  }
0xa6: {  	v3 =	vperm.xlane v3, v2;
	v4 =	vadd.s32 v1, v4;
	_ =	sdelay $0x1  }
0xa7: {  	v3 =	vadd.s32 v1, v3;
	_ =	sdelay $0x2  }
0xa8: {  	[tilespmem:s23], [sflag:$0x1] =	stream.indirect_vreg.gather [hbm4b:s3+s2], $0x80, v4, vm0, $0xb8;
	[tilespmem:$0x8080] =	vst v63  }
0xa9: {  	_ = 	snop  }
0xaa: {  	[tilespmem:s24], [sflag:$0x1] =	stream.indirect_vreg.gather [hbm4b:s3+s2], $0x80, v3, vm0, $0xb8;
	[tilespmem:$0x8080] =	vst v63  }
0xab: {  	v3 =	vld [tilespmem:$0x50];
	_ =	sdelay $0x4  }
0xac: {  	v29 =	vshll.u32 v3, $0x1  }
0xad: {  	v3 =	vand.u32 $0x7, v3;
	v4 =	vand.u32 $0xFFFFFFF0, v29  }
0xae: {  	v3 =	vor.u32 v3, v4  }
0xaf: {  	v4 =	vperm.xlane v3, v0;
	_ =	sdelay $0x1  }
0xb0: {  	v3 =	vperm.xlane v3, v2;
	v4 =	vadd.s32 v1, v4;
	_ =	sdelay $0x1  }
0xb1: {  	v3 =	vadd.s32 v1, v3;
	_ =	sdelay $0x2  }
0xb2: {  	[tilespmem:s25], [sflag:$0x1] =	stream.indirect_vreg.gather [hbm4b:s3+s2], $0x80, v4, vm0, $0xb8;
	[tilespmem:$0x8080] =	vst v63  }
0xb3: {  	_ = 	snop  }
0xb4: {  	[tilespmem:s26], [sflag:$0x1] =	stream.indirect_vreg.gather [hbm4b:s3+s2], $0x80, v3, vm0, $0xb8;
	[tilespmem:$0x8080] =	vst v63  }
0xb5: {  	v3 =	vld [tilespmem:$0x60];
	_ =	sdelay $0x4  }
0xb6: {  	v30 =	vshll.u32 v3, $0x1  }
0xb7: {  	v3 =	vand.u32 $0x7, v3;
	v4 =	vand.u32 $0xFFFFFFF0, v30  }
0xb8: {  	v3 =	vor.u32 v3, v4  }
0xb9: {  	v4 =	vperm.xlane v3, v0;
	_ =	sdelay $0x1  }
0xba: {  	v3 =	vperm.xlane v3, v2;
	v4 =	vadd.s32 v1, v4;
	_ =	sdelay $0x1  }
0xbb: {  	v3 =	vadd.s32 v1, v3;
	_ =	sdelay $0x2  }
0xbc: {  	[tilespmem:s28], [sflag:$0x1] =	stream.indirect_vreg.gather [hbm4b:s3+s2], $0x80, v4, vm0, $0xb8;
	[tilespmem:$0x8080] =	vst v63  }
0xbd: {  	_ = 	snop  }
0xbe: {  	[tilespmem:s29], [sflag:$0x1] =	stream.indirect_vreg.gather [hbm4b:s3+s2], $0x80, v3, vm0, $0xb8;
	[tilespmem:$0x8080] =	vst v63  }
0xbf: {  	v3 =	vld [tilespmem:$0x70];
	_ =	sdelay $0x4  }
0xc0: {  	v31 =	vshll.u32 v3, $0x1  }
0xc1: {  	v3 =	vand.u32 $0x7, v3;
	v4 =	vand.u32 $0xFFFFFFF0, v31  }
0xc2: {  	v3 =	vor.u32 v3, v4  }
0xc3: {  	v4 =	vperm.xlane v3, v0;
	_ =	sdelay $0x1  }
0xc4: {  	v3 =	vperm.xlane v3, v2;
	v4 =	vadd.s32 v1, v4;
	_ =	sdelay $0x1  }
0xc5: {  	v3 =	vadd.s32 v1, v3;
	_ =	sdelay $0x2  }
0xc6: {  	[tilespmem:s30], [sflag:$0x1] =	stream.indirect_vreg.gather [hbm4b:s3+s2], $0x80, v4, vm0, $0xb8;
	[tilespmem:$0x8080] =	vst v63  }
0xc7: {  	_ = 	snop  }
0xc8: {  	[tilespmem:s31], [sflag:$0x1] =	stream.indirect_vreg.gather [hbm4b:s3+s2], $0x80, v3, vm0, $0xb8;
	[tilespmem:$0x8080] =	vst v63  }
0xc9: {  	_ =	swait.ge [sflag:s0], $0x8000  }
0xca: {  	[sflag:s0] =	ssyncset.done $0x0  }
0xcb: {  	[sflag:s0] =	ssyncadd.s32 $0xFFFF8000  }
0xcc: {  	[hbm4b:s4+s2] =	stream.linear.scatter [tilespmem:s15], [sflag:$0x2], $0x8000, $0x38;
	[tilespmem:$0x8080] =	vst v63  }
0xcd: {  	_ =	swait.ge [sflag:s14], $0x8000  }
0xce: {  	[sflag:s14] =	ssyncset.done $0x0  }
0xcf: {  	[sflag:s14] =	ssyncadd.s32 $0xFFFF8000  }
0xd0: {  	[tilespmem:s2], [sflag:$0x2] =	stream.linear.gather [hbm4b:s5+s2], $0x80, $0x38;
	[tilespmem:$0x8080] =	vst v63  }
0xd1: {  	_ =	swait.ge [sflag:s14], $0x80  }
0xd2: {  	[sflag:s14] =	ssyncset.done $0x0  }
0xd3: {  	[sflag:s14] =	ssyncadd.s32 $0xFFFFFF80  }
0xd4: {  	v3 =	vld [tilespmem:$0x0];
	_ =	sdelay $0x4  }
0xd5: {  	v32 =	vshll.u32 v3, $0x1  }
0xd6: {  	v3 =	vand.u32 $0x7, v3;
	v4 =	vand.u32 $0xFFFFFFF0, v32  }
0xd7: {  	v3 =	vor.u32 v3, v4  }
0xd8: {  	v4 =	vperm.xlane v3, v0;
	_ =	sdelay $0x1  }
0xd9: {  	v3 =	vperm.xlane v3, v2;
	v4 =	vadd.s32 v1, v4;
	_ =	sdelay $0x1  }
0xda: {  	v3 =	vadd.s32 v1, v3;
	_ =	sdelay $0x2  }
0xdb: {  	[tilespmem:s15], [sflag:$0x1] =	stream.indirect_vreg.gather [hbm4b:s3+s2], $0x80, v4, vm0, $0xb8;
	[tilespmem:$0x8080] =	vst v63  }
0xdc: {  	_ = 	snop  }
0xdd: {  	[tilespmem:s16], [sflag:$0x1] =	stream.indirect_vreg.gather [hbm4b:s3+s2], $0x80, v3, vm0, $0xb8;
	[tilespmem:$0x8080] =	vst v63  }
0xde: {  	v3 =	vld [tilespmem:$0x10];
	_ =	sdelay $0x4  }
0xdf: {  	v33 =	vshll.u32 v3, $0x1  }
0xe0: {  	v3 =	vand.u32 $0x7, v3;
	v4 =	vand.u32 $0xFFFFFFF0, v33  }
0xe1: {  	v3 =	vor.u32 v3, v4  }
0xe2: {  	v4 =	vperm.xlane v3, v0;
	_ =	sdelay $0x1  }
0xe3: {  	v3 =	vperm.xlane v3, v2;
	v4 =	vadd.s32 v1, v4;
	_ =	sdelay $0x1  }
0xe4: {  	v3 =	vadd.s32 v1, v3;
	_ =	sdelay $0x2  }
0xe5: {  	[tilespmem:s17], [sflag:$0x1] =	stream.indirect_vreg.gather [hbm4b:s3+s2], $0x80, v4, vm0, $0xb8;
	[tilespmem:$0x8080] =	vst v63  }
0xe6: {  	_ = 	snop  }
0xe7: {  	[tilespmem:s18], [sflag:$0x1] =	stream.indirect_vreg.gather [hbm4b:s3+s2], $0x80, v3, vm0, $0xb8;
	[tilespmem:$0x8080] =	vst v63  }
0xe8: {  	v3 =	vld [tilespmem:$0x20];
	_ =	sdelay $0x4  }
0xe9: {  	v34 =	vshll.u32 v3, $0x1  }
0xea: {  	v3 =	vand.u32 $0x7, v3;
	v4 =	vand.u32 $0xFFFFFFF0, v34  }
0xeb: {  	v3 =	vor.u32 v3, v4  }
0xec: {  	v4 =	vperm.xlane v3, v0;
	_ =	sdelay $0x1  }
0xed: {  	v3 =	vperm.xlane v3, v2;
	v4 =	vadd.s32 v1, v4;
	_ =	sdelay $0x1  }
0xee: {  	v3 =	vadd.s32 v1, v3;
	_ =	sdelay $0x2  }
0xef: {  	[tilespmem:s19], [sflag:$0x1] =	stream.indirect_vreg.gather [hbm4b:s3+s2], $0x80, v4, vm0, $0xb8;
	[tilespmem:$0x8080] =	vst v63  }
0xf0: {  	_ = 	snop  }
0xf1: {  	[tilespmem:s20], [sflag:$0x1] =	stream.indirect_vreg.gather [hbm4b:s3+s2], $0x80, v3, vm0, $0xb8;
	[tilespmem:$0x8080] =	vst v63  }
0xf2: {  	v3 =	vld [tilespmem:$0x30];
	_ =	sdelay $0x4  }
0xf3: {  	v35 =	vshll.u32 v3, $0x1  }
0xf4: {  	v3 =	vand.u32 $0x7, v3;
	v4 =	vand.u32 $0xFFFFFFF0, v35  }
0xf5: {  	v3 =	vor.u32 v3, v4  }
0xf6: {  	v4 =	vperm.xlane v3, v0;
	_ =	sdelay $0x1  }
0xf7: {  	v3 =	vperm.xlane v3, v2;
	v4 =	vadd.s32 v1, v4;
	_ =	sdelay $0x1  }
0xf8: {  	v3 =	vadd.s32 v1, v3;
	_ =	sdelay $0x2  }
0xf9: {  	[tilespmem:s21], [sflag:$0x1] =	stream.indirect_vreg.gather [hbm4b:s3+s2], $0x80, v4, vm0, $0xb8;
	[tilespmem:$0x8080] =	vst v63  }
0xfa: {  	_ = 	snop  }
0xfb: {  	[tilespmem:s22], [sflag:$0x1] =	stream.indirect_vreg.gather [hbm4b:s3+s2], $0x80, v3, vm0, $0xb8;
	[tilespmem:$0x8080] =	vst v63  }
0xfc: {  	v3 =	vld [tilespmem:$0x40];
	_ =	sdelay $0x4  }
0xfd: {  	v36 =	vshll.u32 v3, $0x1  }
0xfe: {  	v3 =	vand.u32 $0x7, v3;
	v4 =	vand.u32 $0xFFFFFFF0, v36  }
0xff: {  	v3 =	vor.u32 v3, v4  }
0x100: {  	v4 =	vperm.xlane v3, v0;
	_ =	sdelay $0x1  }
0x101: {  	v3 =	vperm.xlane v3, v2;
	v4 =	vadd.s32 v1, v4;
	_ =	sdelay $0x1  }
0x102: {  	v3 =	vadd.s32 v1, v3;
	_ =	sdelay $0x2  }
0x103: {  	[tilespmem:s23], [sflag:$0x1] =	stream.indirect_vreg.gather [hbm4b:s3+s2], $0x80, v4, vm0, $0xb8;
	[tilespmem:$0x8080] =	vst v63  }
0x104: {  	_ = 	snop  }
0x105: {  	[tilespmem:s24], [sflag:$0x1] =	stream.indirect_vreg.gather [hbm4b:s3+s2], $0x80, v3, vm0, $0xb8;
	[tilespmem:$0x8080] =	vst v63  }
0x106: {  	v3 =	vld [tilespmem:$0x50];
	_ =	sdelay $0x4  }
0x107: {  	v37 =	vshll.u32 v3, $0x1  }
0x108: {  	v3 =	vand.u32 $0x7, v3;
	v4 =	vand.u32 $0xFFFFFFF0, v37  }
0x109: {  	v3 =	vor.u32 v3, v4  }
0x10a: {  	v4 =	vperm.xlane v3, v0;
	_ =	sdelay $0x1  }
0x10b: {  	v3 =	vperm.xlane v3, v2;
	v4 =	vadd.s32 v1, v4;
	_ =	sdelay $0x1  }
0x10c: {  	v3 =	vadd.s32 v1, v3;
	_ =	sdelay $0x2  }
0x10d: {  	[tilespmem:s25], [sflag:$0x1] =	stream.indirect_vreg.gather [hbm4b:s3+s2], $0x80, v4, vm0, $0xb8;
	[tilespmem:$0x8080] =	vst v63  }
0x10e: {  	_ = 	snop  }
0x10f: {  	[tilespmem:s26], [sflag:$0x1] =	stream.indirect_vreg.gather [hbm4b:s3+s2], $0x80, v3, vm0, $0xb8;
	[tilespmem:$0x8080] =	vst v63  }
0x110: {  	v3 =	vld [tilespmem:$0x60];
	_ =	sdelay $0x4  }
0x111: {  	v38 =	vshll.u32 v3, $0x1  }
0x112: {  	v3 =	vand.u32 $0x7, v3;
	v4 =	vand.u32 $0xFFFFFFF0, v38  }
0x113: {  	v3 =	vor.u32 v3, v4  }
0x114: {  	v4 =	vperm.xlane v3, v0;
	_ =	sdelay $0x1  }
0x115: {  	v3 =	vperm.xlane v3, v2;
	v4 =	vadd.s32 v1, v4;
	_ =	sdelay $0x1  }
0x116: {  	v3 =	vadd.s32 v1, v3;
	_ =	sdelay $0x2  }
0x117: {  	[tilespmem:s28], [sflag:$0x1] =	stream.indirect_vreg.gather [hbm4b:s3+s2], $0x80, v4, vm0, $0xb8;
	[tilespmem:$0x8080] =	vst v63  }
0x118: {  	_ = 	snop  }
0x119: {  	[tilespmem:s29], [sflag:$0x1] =	stream.indirect_vreg.gather [hbm4b:s3+s2], $0x80, v3, vm0, $0xb8;
	[tilespmem:$0x8080] =	vst v63  }
0x11a: {  	v3 =	vld [tilespmem:$0x70];
	_ =	sdelay $0x4  }
0x11b: {  	v39 =	vshll.u32 v3, $0x1  }
0x11c: {  	v3 =	vand.u32 $0x7, v3;
	v4 =	vand.u32 $0xFFFFFFF0, v39  }
0x11d: {  	v3 =	vor.u32 v3, v4  }
0x11e: {  	v4 =	vperm.xlane v3, v0;
	_ =	sdelay $0x1  }
0x11f: {  	v3 =	vperm.xlane v3, v2;
	v4 =	vadd.s32 v1, v4;
	_ =	sdelay $0x1  }
0x120: {  	v3 =	vadd.s32 v1, v3;
	_ =	sdelay $0x2  }
0x121: {  	[tilespmem:s30], [sflag:$0x1] =	stream.indirect_vreg.gather [hbm4b:s3+s2], $0x80, v4, vm0, $0xb8;
	[tilespmem:$0x8080] =	vst v63  }
0x122: {  	_ = 	snop  }
0x123: {  	[tilespmem:s31], [sflag:$0x1] =	stream.indirect_vreg.gather [hbm4b:s3+s2], $0x80, v3, vm0, $0xb8;
	[tilespmem:$0x8080] =	vst v63  }
0x124: {  	_ =	swait.ge [sflag:s0], $0x8000  }
0x125: {  	[sflag:s0] =	ssyncset.done $0x0  }
0x126: {  	[sflag:s0] =	ssyncadd.s32 $0xFFFF8000  }
0x127: {  	[hbm4b:s6+s2] =	stream.linear.scatter [tilespmem:s15], [sflag:$0x2], $0x8000, $0x38;
	[tilespmem:$0x8080] =	vst v63  }
0x128: {  	_ =	swait.ge [sflag:s14], $0x8000  }
0x129: {  	[sflag:s14] =	ssyncset.done $0x0  }
0x12a: {  	[sflag:s14] =	ssyncadd.s32 $0xFFFF8000  }
0x12b: {  	[tilespmem:s2], [sflag:$0x2] =	stream.linear.gather [hbm4b:s7+s2], $0x80, $0x38;
	[tilespmem:$0x8080] =	vst v63  }
0x12c: {  	_ =	swait.ge [sflag:s14], $0x80  }
0x12d: {  	[sflag:s14] =	ssyncset.done $0x0  }
0x12e: {  	[sflag:s14] =	ssyncadd.s32 $0xFFFFFF80  }
0x12f: {  	v3 =	vld [tilespmem:$0x0];
	_ =	sdelay $0x4  }
0x130: {  	v40 =	vshll.u32 v3, $0x1  }
0x131: {  	v3 =	vand.u32 $0x7, v3;
	v4 =	vand.u32 $0xFFFFFFF0, v40  }
0x132: {  	v3 =	vor.u32 v3, v4  }
0x133: {  	v4 =	vperm.xlane v3, v0;
	_ =	sdelay $0x1  }
0x134: {  	v3 =	vperm.xlane v3, v2;
	v4 =	vadd.s32 v1, v4;
	_ =	sdelay $0x1  }
0x135: {  	v3 =	vadd.s32 v1, v3;
	_ =	sdelay $0x2  }
0x136: {  	[tilespmem:s15], [sflag:$0x1] =	stream.indirect_vreg.gather [hbm4b:s3+s2], $0x80, v4, vm0, $0xb8;
	[tilespmem:$0x8080] =	vst v63  }
0x137: {  	_ = 	snop  }
0x138: {  	[tilespmem:s16], [sflag:$0x1] =	stream.indirect_vreg.gather [hbm4b:s3+s2], $0x80, v3, vm0, $0xb8;
	[tilespmem:$0x8080] =	vst v63  }
0x139: {  	v3 =	vld [tilespmem:$0x10];
	_ =	sdelay $0x4  }
0x13a: {  	v41 =	vshll.u32 v3, $0x1  }
0x13b: {  	v3 =	vand.u32 $0x7, v3;
	v4 =	vand.u32 $0xFFFFFFF0, v41  }
0x13c: {  	v3 =	vor.u32 v3, v4  }
0x13d: {  	v4 =	vperm.xlane v3, v0;
	_ =	sdelay $0x1  }
0x13e: {  	v3 =	vperm.xlane v3, v2;
	v4 =	vadd.s32 v1, v4;
	_ =	sdelay $0x1  }
0x13f: {  	v3 =	vadd.s32 v1, v3;
	_ =	sdelay $0x2  }
0x140: {  	[tilespmem:s17], [sflag:$0x1] =	stream.indirect_vreg.gather [hbm4b:s3+s2], $0x80, v4, vm0, $0xb8;
	[tilespmem:$0x8080] =	vst v63  }
0x141: {  	_ = 	snop  }
0x142: {  	[tilespmem:s18], [sflag:$0x1] =	stream.indirect_vreg.gather [hbm4b:s3+s2], $0x80, v3, vm0, $0xb8;
	[tilespmem:$0x8080] =	vst v63  }
0x143: {  	v3 =	vld [tilespmem:$0x20];
	_ =	sdelay $0x4  }
0x144: {  	v42 =	vshll.u32 v3, $0x1  }
0x145: {  	v3 =	vand.u32 $0x7, v3;
	v4 =	vand.u32 $0xFFFFFFF0, v42  }
0x146: {  	v3 =	vor.u32 v3, v4  }
0x147: {  	v4 =	vperm.xlane v3, v0;
	_ =	sdelay $0x1  }
0x148: {  	v3 =	vperm.xlane v3, v2;
	v4 =	vadd.s32 v1, v4;
	_ =	sdelay $0x1  }
0x149: {  	v3 =	vadd.s32 v1, v3;
	_ =	sdelay $0x2  }
0x14a: {  	[tilespmem:s19], [sflag:$0x1] =	stream.indirect_vreg.gather [hbm4b:s3+s2], $0x80, v4, vm0, $0xb8;
	[tilespmem:$0x8080] =	vst v63  }
0x14b: {  	_ = 	snop  }
0x14c: {  	[tilespmem:s20], [sflag:$0x1] =	stream.indirect_vreg.gather [hbm4b:s3+s2], $0x80, v3, vm0, $0xb8;
	[tilespmem:$0x8080] =	vst v63  }
0x14d: {  	v3 =	vld [tilespmem:$0x30];
	_ =	sdelay $0x4  }
0x14e: {  	v43 =	vshll.u32 v3, $0x1  }
0x14f: {  	v3 =	vand.u32 $0x7, v3;
	v4 =	vand.u32 $0xFFFFFFF0, v43  }
0x150: {  	v3 =	vor.u32 v3, v4  }
0x151: {  	v4 =	vperm.xlane v3, v0;
	_ =	sdelay $0x1  }
0x152: {  	v3 =	vperm.xlane v3, v2;
	v4 =	vadd.s32 v1, v4;
	_ =	sdelay $0x1  }
0x153: {  	v3 =	vadd.s32 v1, v3;
	_ =	sdelay $0x2  }
0x154: {  	[tilespmem:s21], [sflag:$0x1] =	stream.indirect_vreg.gather [hbm4b:s3+s2], $0x80, v4, vm0, $0xb8;
	[tilespmem:$0x8080] =	vst v63  }
0x155: {  	_ = 	snop  }
0x156: {  	[tilespmem:s22], [sflag:$0x1] =	stream.indirect_vreg.gather [hbm4b:s3+s2], $0x80, v3, vm0, $0xb8;
	[tilespmem:$0x8080] =	vst v63  }
0x157: {  	v3 =	vld [tilespmem:$0x40];
	_ =	sdelay $0x4  }
0x158: {  	v44 =	vshll.u32 v3, $0x1  }
0x159: {  	v3 =	vand.u32 $0x7, v3;
	v4 =	vand.u32 $0xFFFFFFF0, v44  }
0x15a: {  	v3 =	vor.u32 v3, v4  }
0x15b: {  	v4 =	vperm.xlane v3, v0;
	_ =	sdelay $0x1  }
0x15c: {  	v3 =	vperm.xlane v3, v2;
	v4 =	vadd.s32 v1, v4;
	_ =	sdelay $0x1  }
0x15d: {  	v3 =	vadd.s32 v1, v3;
	_ =	sdelay $0x2  }
0x15e: {  	[tilespmem:s23], [sflag:$0x1] =	stream.indirect_vreg.gather [hbm4b:s3+s2], $0x80, v4, vm0, $0xb8;
	[tilespmem:$0x8080] =	vst v63  }
0x15f: {  	_ = 	snop  }
0x160: {  	[tilespmem:s24], [sflag:$0x1] =	stream.indirect_vreg.gather [hbm4b:s3+s2], $0x80, v3, vm0, $0xb8;
	[tilespmem:$0x8080] =	vst v63  }
0x161: {  	v3 =	vld [tilespmem:$0x50];
	_ =	sdelay $0x4  }
0x162: {  	v45 =	vshll.u32 v3, $0x1  }
0x163: {  	v3 =	vand.u32 $0x7, v3;
	v4 =	vand.u32 $0xFFFFFFF0, v45  }
0x164: {  	v3 =	vor.u32 v3, v4  }
0x165: {  	v4 =	vperm.xlane v3, v0;
	_ =	sdelay $0x1  }
0x166: {  	v3 =	vperm.xlane v3, v2;
	v4 =	vadd.s32 v1, v4;
	_ =	sdelay $0x1  }
0x167: {  	v3 =	vadd.s32 v1, v3;
	_ =	sdelay $0x2  }
0x168: {  	[tilespmem:s25], [sflag:$0x1] =	stream.indirect_vreg.gather [hbm4b:s3+s2], $0x80, v4, vm0, $0xb8;
	[tilespmem:$0x8080] =	vst v63  }
0x169: {  	_ = 	snop  }
0x16a: {  	[tilespmem:s26], [sflag:$0x1] =	stream.indirect_vreg.gather [hbm4b:s3+s2], $0x80, v3, vm0, $0xb8;
	[tilespmem:$0x8080] =	vst v63  }
0x16b: {  	v3 =	vld [tilespmem:$0x60];
	_ =	sdelay $0x4  }
0x16c: {  	v46 =	vshll.u32 v3, $0x1  }
0x16d: {  	v3 =	vand.u32 $0x7, v3;
	v4 =	vand.u32 $0xFFFFFFF0, v46  }
0x16e: {  	v3 =	vor.u32 v3, v4  }
0x16f: {  	v4 =	vperm.xlane v3, v0;
	_ =	sdelay $0x1  }
0x170: {  	v3 =	vperm.xlane v3, v2;
	v4 =	vadd.s32 v1, v4;
	_ =	sdelay $0x1  }
0x171: {  	v3 =	vadd.s32 v1, v3;
	_ =	sdelay $0x2  }
0x172: {  	[tilespmem:s28], [sflag:$0x1] =	stream.indirect_vreg.gather [hbm4b:s3+s2], $0x80, v4, vm0, $0xb8;
	[tilespmem:$0x8080] =	vst v63  }
0x173: {  	_ = 	snop  }
0x174: {  	[tilespmem:s29], [sflag:$0x1] =	stream.indirect_vreg.gather [hbm4b:s3+s2], $0x80, v3, vm0, $0xb8;
	[tilespmem:$0x8080] =	vst v63  }
0x175: {  	v3 =	vld [tilespmem:$0x70];
	_ =	sdelay $0x4  }
0x176: {  	v47 =	vshll.u32 v3, $0x1  }
0x177: {  	v3 =	vand.u32 $0x7, v3;
	v4 =	vand.u32 $0xFFFFFFF0, v47  }
0x178: {  	v3 =	vor.u32 v3, v4  }
0x179: {  	v4 =	vperm.xlane v3, v0;
	_ =	sdelay $0x1  }
0x17a: {  	v3 =	vperm.xlane v3, v2;
	v4 =	vadd.s32 v1, v4;
	_ =	sdelay $0x1  }
0x17b: {  	v3 =	vadd.s32 v1, v3;
	_ =	sdelay $0x2  }
0x17c: {  	[tilespmem:s30], [sflag:$0x1] =	stream.indirect_vreg.gather [hbm4b:s3+s2], $0x80, v4, vm0, $0xb8;
	[tilespmem:$0x8080] =	vst v63  }
0x17d: {  	_ = 	snop  }
0x17e: {  	[tilespmem:s31], [sflag:$0x1] =	stream.indirect_vreg.gather [hbm4b:s3+s2], $0x80, v3, vm0, $0xb8;
	[tilespmem:$0x8080] =	vst v63  }
0x17f: {  	_ =	swait.ge [sflag:s0], $0x8000  }
0x180: {  	[sflag:s0] =	ssyncset.done $0x0  }
0x181: {  	[sflag:s0] =	ssyncadd.s32 $0xFFFF8000  }
0x182: {  	[hbm4b:s8+s2] =	stream.linear.scatter [tilespmem:s15], [sflag:$0x2], $0x8000, $0x38;
	[tilespmem:$0x8080] =	vst v63  }
0x183: {  	_ =	swait.ge [sflag:s14], $0x8000  }
0x184: {  	[sflag:s14] =	ssyncset.done $0x0  }
0x185: {  	[sflag:s14] =	ssyncadd.s32 $0xFFFF8000  }
0x186: {  	[tilespmem:s2], [sflag:$0x2] =	stream.linear.gather [hbm4b:s9+s2], $0x80, $0x38;
	[tilespmem:$0x8080] =	vst v63  }
0x187: {  	_ =	swait.ge [sflag:s14], $0x80  }
0x188: {  	[sflag:s14] =	ssyncset.done $0x0  }
0x189: {  	[sflag:s14] =	ssyncadd.s32 $0xFFFFFF80  }
0x18a: {  	v3 =	vld [tilespmem:$0x0];
	_ =	sdelay $0x4  }
0x18b: {  	v48 =	vshll.u32 v3, $0x1  }
0x18c: {  	v3 =	vand.u32 $0x7, v3;
	v4 =	vand.u32 $0xFFFFFFF0, v48  }
0x18d: {  	v3 =	vor.u32 v3, v4  }
0x18e: {  	v4 =	vperm.xlane v3, v0;
	_ =	sdelay $0x1  }
0x18f: {  	v3 =	vperm.xlane v3, v2;
	v4 =	vadd.s32 v1, v4;
	_ =	sdelay $0x1  }
0x190: {  	v3 =	vadd.s32 v1, v3;
	_ =	sdelay $0x2  }
0x191: {  	[tilespmem:s15], [sflag:$0x1] =	stream.indirect_vreg.gather [hbm4b:s3+s2], $0x80, v4, vm0, $0xb8;
	[tilespmem:$0x8080] =	vst v63  }
0x192: {  	_ = 	snop  }
0x193: {  	[tilespmem:s16], [sflag:$0x1] =	stream.indirect_vreg.gather [hbm4b:s3+s2], $0x80, v3, vm0, $0xb8;
	[tilespmem:$0x8080] =	vst v63  }
0x194: {  	v3 =	vld [tilespmem:$0x10];
	_ =	sdelay $0x4  }
0x195: {  	v49 =	vshll.u32 v3, $0x1  }
0x196: {  	v3 =	vand.u32 $0x7, v3;
	v4 =	vand.u32 $0xFFFFFFF0, v49  }
0x197: {  	v3 =	vor.u32 v3, v4  }
0x198: {  	v4 =	vperm.xlane v3, v0;
	_ =	sdelay $0x1  }
0x199: {  	v3 =	vperm.xlane v3, v2;
	v4 =	vadd.s32 v1, v4;
	_ =	sdelay $0x1  }
0x19a: {  	v3 =	vadd.s32 v1, v3;
	_ =	sdelay $0x2  }
0x19b: {  	[tilespmem:s17], [sflag:$0x1] =	stream.indirect_vreg.gather [hbm4b:s3+s2], $0x80, v4, vm0, $0xb8;
	[tilespmem:$0x8080] =	vst v63  }
0x19c: {  	_ = 	snop  }
0x19d: {  	[tilespmem:s18], [sflag:$0x1] =	stream.indirect_vreg.gather [hbm4b:s3+s2], $0x80, v3, vm0, $0xb8;
	[tilespmem:$0x8080] =	vst v63  }
0x19e: {  	v3 =	vld [tilespmem:$0x20];
	_ =	sdelay $0x4  }
0x19f: {  	v50 =	vshll.u32 v3, $0x1  }
0x1a0: {  	v3 =	vand.u32 $0x7, v3;
	v4 =	vand.u32 $0xFFFFFFF0, v50  }
0x1a1: {  	v3 =	vor.u32 v3, v4  }
0x1a2: {  	v4 =	vperm.xlane v3, v0;
	_ =	sdelay $0x1  }
0x1a3: {  	v3 =	vperm.xlane v3, v2;
	v4 =	vadd.s32 v1, v4;
	_ =	sdelay $0x1  }
0x1a4: {  	v3 =	vadd.s32 v1, v3;
	_ =	sdelay $0x2  }
0x1a5: {  	[tilespmem:s19], [sflag:$0x1] =	stream.indirect_vreg.gather [hbm4b:s3+s2], $0x80, v4, vm0, $0xb8;
	[tilespmem:$0x8080] =	vst v63  }
0x1a6: {  	_ = 	snop  }
0x1a7: {  	[tilespmem:s20], [sflag:$0x1] =	stream.indirect_vreg.gather [hbm4b:s3+s2], $0x80, v3, vm0, $0xb8;
	[tilespmem:$0x8080] =	vst v63  }
0x1a8: {  	v3 =	vld [tilespmem:$0x30];
	_ =	sdelay $0x4  }
0x1a9: {  	v51 =	vshll.u32 v3, $0x1  }
0x1aa: {  	v3 =	vand.u32 $0x7, v3;
	v4 =	vand.u32 $0xFFFFFFF0, v51  }
0x1ab: {  	v3 =	vor.u32 v3, v4  }
0x1ac: {  	v4 =	vperm.xlane v3, v0;
	_ =	sdelay $0x1  }
0x1ad: {  	v3 =	vperm.xlane v3, v2;
	v4 =	vadd.s32 v1, v4;
	_ =	sdelay $0x1  }
0x1ae: {  	v3 =	vadd.s32 v1, v3;
	_ =	sdelay $0x2  }
0x1af: {  	[tilespmem:s21], [sflag:$0x1] =	stream.indirect_vreg.gather [hbm4b:s3+s2], $0x80, v4, vm0, $0xb8;
	[tilespmem:$0x8080] =	vst v63  }
0x1b0: {  	_ = 	snop  }
0x1b1: {  	[tilespmem:s22], [sflag:$0x1] =	stream.indirect_vreg.gather [hbm4b:s3+s2], $0x80, v3, vm0, $0xb8;
	[tilespmem:$0x8080] =	vst v63  }
0x1b2: {  	v3 =	vld [tilespmem:$0x40];
	_ =	sdelay $0x4  }
0x1b3: {  	v52 =	vshll.u32 v3, $0x1  }
0x1b4: {  	v3 =	vand.u32 $0x7, v3;
	v4 =	vand.u32 $0xFFFFFFF0, v52  }
0x1b5: {  	v3 =	vor.u32 v3, v4  }
0x1b6: {  	v4 =	vperm.xlane v3, v0;
	_ =	sdelay $0x1  }
0x1b7: {  	v3 =	vperm.xlane v3, v2;
	v4 =	vadd.s32 v1, v4;
	_ =	sdelay $0x1  }
0x1b8: {  	v3 =	vadd.s32 v1, v3;
	_ =	sdelay $0x2  }
0x1b9: {  	[tilespmem:s23], [sflag:$0x1] =	stream.indirect_vreg.gather [hbm4b:s3+s2], $0x80, v4, vm0, $0xb8;
	[tilespmem:$0x8080] =	vst v63  }
0x1ba: {  	_ = 	snop  }
0x1bb: {  	[tilespmem:s24], [sflag:$0x1] =	stream.indirect_vreg.gather [hbm4b:s3+s2], $0x80, v3, vm0, $0xb8;
	[tilespmem:$0x8080] =	vst v63  }
0x1bc: {  	v3 =	vld [tilespmem:$0x50];
	_ =	sdelay $0x4  }
0x1bd: {  	v53 =	vshll.u32 v3, $0x1  }
0x1be: {  	v3 =	vand.u32 $0x7, v3;
	v4 =	vand.u32 $0xFFFFFFF0, v53  }
0x1bf: {  	v3 =	vor.u32 v3, v4  }
0x1c0: {  	v4 =	vperm.xlane v3, v0;
	_ =	sdelay $0x1  }
0x1c1: {  	v3 =	vperm.xlane v3, v2;
	v4 =	vadd.s32 v1, v4;
	_ =	sdelay $0x1  }
0x1c2: {  	v3 =	vadd.s32 v1, v3;
	_ =	sdelay $0x2  }
0x1c3: {  	[tilespmem:s25], [sflag:$0x1] =	stream.indirect_vreg.gather [hbm4b:s3+s2], $0x80, v4, vm0, $0xb8;
	[tilespmem:$0x8080] =	vst v63  }
0x1c4: {  	_ = 	snop  }
0x1c5: {  	[tilespmem:s26], [sflag:$0x1] =	stream.indirect_vreg.gather [hbm4b:s3+s2], $0x80, v3, vm0, $0xb8;
	[tilespmem:$0x8080] =	vst v63  }
0x1c6: {  	v3 =	vld [tilespmem:$0x60];
	_ =	sdelay $0x4  }
0x1c7: {  	v54 =	vshll.u32 v3, $0x1  }
0x1c8: {  	v3 =	vand.u32 $0x7, v3;
	v4 =	vand.u32 $0xFFFFFFF0, v54  }
0x1c9: {  	v3 =	vor.u32 v3, v4  }
0x1ca: {  	v4 =	vperm.xlane v3, v0;
	_ =	sdelay $0x1  }
0x1cb: {  	v3 =	vperm.xlane v3, v2;
	v4 =	vadd.s32 v1, v4;
	_ =	sdelay $0x1  }
0x1cc: {  	v3 =	vadd.s32 v1, v3;
	_ =	sdelay $0x2  }
0x1cd: {  	[tilespmem:s28], [sflag:$0x1] =	stream.indirect_vreg.gather [hbm4b:s3+s2], $0x80, v4, vm0, $0xb8;
	[tilespmem:$0x8080] =	vst v63  }
0x1ce: {  	_ = 	snop  }
0x1cf: {  	[tilespmem:s29], [sflag:$0x1] =	stream.indirect_vreg.gather [hbm4b:s3+s2], $0x80, v3, vm0, $0xb8;
	[tilespmem:$0x8080] =	vst v63  }
0x1d0: {  	v3 =	vld [tilespmem:$0x70];
	_ =	sdelay $0x4  }
0x1d1: {  	v55 =	vshll.u32 v3, $0x1  }
0x1d2: {  	v3 =	vand.u32 $0x7, v3;
	v4 =	vand.u32 $0xFFFFFFF0, v55  }
0x1d3: {  	v3 =	vor.u32 v3, v4  }
0x1d4: {  	v4 =	vperm.xlane v3, v0;
	_ =	sdelay $0x1  }
0x1d5: {  	v3 =	vperm.xlane v3, v2;
	v4 =	vadd.s32 v1, v4;
	_ =	sdelay $0x1  }
0x1d6: {  	v3 =	vadd.s32 v1, v3;
	_ =	sdelay $0x2  }
0x1d7: {  	[tilespmem:s30], [sflag:$0x1] =	stream.indirect_vreg.gather [hbm4b:s3+s2], $0x80, v4, vm0, $0xb8;
	[tilespmem:$0x8080] =	vst v63  }
0x1d8: {  	_ = 	snop  }
0x1d9: {  	[tilespmem:s31], [sflag:$0x1] =	stream.indirect_vreg.gather [hbm4b:s3+s2], $0x80, v3, vm0, $0xb8;
	[tilespmem:$0x8080] =	vst v63  }
0x1da: {  	_ =	swait.ge [sflag:s0], $0x8000  }
0x1db: {  	[sflag:s0] =	ssyncset.done $0x0  }
0x1dc: {  	[sflag:s0] =	ssyncadd.s32 $0xFFFF8000  }
0x1dd: {  	[hbm4b:s10+s2] =	stream.linear.scatter [tilespmem:s15], [sflag:$0x2], $0x8000, $0x38;
	[tilespmem:$0x8080] =	vst v63  }
0x1de: {  	_ =	swait.ge [sflag:s14], $0x8000  }
0x1df: {  	[sflag:s14] =	ssyncset.done $0x0  }
0x1e0: {  	[sflag:s14] =	ssyncadd.s32 $0xFFFF8000  }
0x1e1: {  	[tilespmem:s2], [sflag:$0x2] =	stream.linear.gather [hbm4b:s11+s2], $0x80, $0x38;
	[tilespmem:$0x8080] =	vst v63  }
0x1e2: {  	_ =	swait.ge [sflag:s14], $0x80  }
0x1e3: {  	[sflag:s14] =	ssyncset.done $0x0  }
0x1e4: {  	[sflag:s14] =	ssyncadd.s32 $0xFFFFFF80  }
0x1e5: {  	v3 =	vld [tilespmem:$0x0];
	_ =	sdelay $0x4  }
0x1e6: {  	v56 =	vshll.u32 v3, $0x1  }
0x1e7: {  	v3 =	vand.u32 $0x7, v3;
	v4 =	vand.u32 $0xFFFFFFF0, v56  }
0x1e8: {  	v3 =	vor.u32 v3, v4  }
0x1e9: {  	v4 =	vperm.xlane v3, v0;
	_ =	sdelay $0x1  }
0x1ea: {  	v3 =	vperm.xlane v3, v2;
	v4 =	vadd.s32 v1, v4;
	_ =	sdelay $0x1  }
0x1eb: {  	v3 =	vadd.s32 v1, v3;
	_ =	sdelay $0x2  }
0x1ec: {  	[tilespmem:s15], [sflag:$0x1] =	stream.indirect_vreg.gather [hbm4b:s3+s2], $0x80, v4, vm0, $0xb8;
	[tilespmem:$0x8080] =	vst v63  }
0x1ed: {  	_ = 	snop  }
0x1ee: {  	[tilespmem:s16], [sflag:$0x1] =	stream.indirect_vreg.gather [hbm4b:s3+s2], $0x80, v3, vm0, $0xb8;
	[tilespmem:$0x8080] =	vst v63  }
0x1ef: {  	v3 =	vld [tilespmem:$0x10];
	_ =	sdelay $0x4  }
0x1f0: {  	v57 =	vshll.u32 v3, $0x1  }
0x1f1: {  	v3 =	vand.u32 $0x7, v3;
	v4 =	vand.u32 $0xFFFFFFF0, v57  }
0x1f2: {  	v3 =	vor.u32 v3, v4  }
0x1f3: {  	v4 =	vperm.xlane v3, v0;
	_ =	sdelay $0x1  }
0x1f4: {  	v3 =	vperm.xlane v3, v2;
	v4 =	vadd.s32 v1, v4;
	_ =	sdelay $0x1  }
0x1f5: {  	v3 =	vadd.s32 v1, v3;
	_ =	sdelay $0x2  }
0x1f6: {  	[tilespmem:s17], [sflag:$0x1] =	stream.indirect_vreg.gather [hbm4b:s3+s2], $0x80, v4, vm0, $0xb8;
	[tilespmem:$0x8080] =	vst v63  }
0x1f7: {  	_ = 	snop  }
0x1f8: {  	[tilespmem:s18], [sflag:$0x1] =	stream.indirect_vreg.gather [hbm4b:s3+s2], $0x80, v3, vm0, $0xb8;
	[tilespmem:$0x8080] =	vst v63  }
0x1f9: {  	v3 =	vld [tilespmem:$0x20];
	_ =	sdelay $0x4  }
0x1fa: {  	v58 =	vshll.u32 v3, $0x1  }
0x1fb: {  	v3 =	vand.u32 $0x7, v3;
	v4 =	vand.u32 $0xFFFFFFF0, v58  }
0x1fc: {  	v3 =	vor.u32 v3, v4  }
0x1fd: {  	v4 =	vperm.xlane v3, v0;
	_ =	sdelay $0x1  }
0x1fe: {  	v3 =	vperm.xlane v3, v2;
	v4 =	vadd.s32 v1, v4;
	_ =	sdelay $0x1  }
0x1ff: {  	v3 =	vadd.s32 v1, v3;
	_ =	sdelay $0x2  }
0x200: {  	[tilespmem:s19], [sflag:$0x1] =	stream.indirect_vreg.gather [hbm4b:s3+s2], $0x80, v4, vm0, $0xb8;
	[tilespmem:$0x8080] =	vst v63  }
0x201: {  	_ = 	snop  }
0x202: {  	[tilespmem:s20], [sflag:$0x1] =	stream.indirect_vreg.gather [hbm4b:s3+s2], $0x80, v3, vm0, $0xb8;
	[tilespmem:$0x8080] =	vst v63  }
0x203: {  	v3 =	vld [tilespmem:$0x30];
	_ =	sdelay $0x4  }
0x204: {  	v59 =	vshll.u32 v3, $0x1  }
0x205: {  	v3 =	vand.u32 $0x7, v3;
	v4 =	vand.u32 $0xFFFFFFF0, v59  }
0x206: {  	v3 =	vor.u32 v3, v4  }
0x207: {  	v4 =	vperm.xlane v3, v0;
	_ =	sdelay $0x1  }
0x208: {  	v3 =	vperm.xlane v3, v2;
	v4 =	vadd.s32 v1, v4;
	_ =	sdelay $0x1  }
0x209: {  	v3 =	vadd.s32 v1, v3;
	_ =	sdelay $0x2  }
0x20a: {  	[tilespmem:s21], [sflag:$0x1] =	stream.indirect_vreg.gather [hbm4b:s3+s2], $0x80, v4, vm0, $0xb8;
	[tilespmem:$0x8080] =	vst v63  }
0x20b: {  	_ = 	snop  }
0x20c: {  	[tilespmem:s22], [sflag:$0x1] =	stream.indirect_vreg.gather [hbm4b:s3+s2], $0x80, v3, vm0, $0xb8;
	[tilespmem:$0x8080] =	vst v63  }
0x20d: {  	v3 =	vld [tilespmem:$0x40];
	_ =	sdelay $0x4  }
0x20e: {  	v60 =	vshll.u32 v3, $0x1  }
0x20f: {  	v3 =	vand.u32 $0x7, v3;
	v4 =	vand.u32 $0xFFFFFFF0, v60  }
0x210: {  	v3 =	vor.u32 v3, v4  }
0x211: {  	v4 =	vperm.xlane v3, v0;
	_ =	sdelay $0x1  }
0x212: {  	v3 =	vperm.xlane v3, v2;
	v4 =	vadd.s32 v1, v4;
	_ =	sdelay $0x1  }
0x213: {  	v3 =	vadd.s32 v1, v3;
	_ =	sdelay $0x2  }
0x214: {  	[tilespmem:s23], [sflag:$0x1] =	stream.indirect_vreg.gather [hbm4b:s3+s2], $0x80, v4, vm0, $0xb8;
	[tilespmem:$0x8080] =	vst v63  }
0x215: {  	_ = 	snop  }
0x216: {  	[tilespmem:s24], [sflag:$0x1] =	stream.indirect_vreg.gather [hbm4b:s3+s2], $0x80, v3, vm0, $0xb8;
	[tilespmem:$0x8080] =	vst v63  }
0x217: {  	v3 =	vld [tilespmem:$0x50];
	_ =	sdelay $0x4  }
0x218: {  	v61 =	vshll.u32 v3, $0x1  }
0x219: {  	v3 =	vand.u32 $0x7, v3;
	v4 =	vand.u32 $0xFFFFFFF0, v61  }
0x21a: {  	v3 =	vor.u32 v3, v4  }
0x21b: {  	v4 =	vperm.xlane v3, v0;
	_ =	sdelay $0x1  }
0x21c: {  	v3 =	vperm.xlane v3, v2;
	v4 =	vadd.s32 v1, v4;
	_ =	sdelay $0x1  }
0x21d: {  	v3 =	vadd.s32 v1, v3;
	_ =	sdelay $0x2  }
0x21e: {  	[tilespmem:s25], [sflag:$0x1] =	stream.indirect_vreg.gather [hbm4b:s3+s2], $0x80, v4, vm0, $0xb8;
	[tilespmem:$0x8080] =	vst v63  }
0x21f: {  	_ = 	snop  }
0x220: {  	[tilespmem:s26], [sflag:$0x1] =	stream.indirect_vreg.gather [hbm4b:s3+s2], $0x80, v3, vm0, $0xb8;
	[tilespmem:$0x8080] =	vst v63  }
0x221: {  	v3 =	vld [tilespmem:$0x60];
	_ =	sdelay $0x4  }
0x222: {  	v62 =	vshll.u32 v3, $0x1  }
0x223: {  	v3 =	vand.u32 $0x7, v3;
	v4 =	vand.u32 $0xFFFFFFF0, v62  }
0x224: {  	v3 =	vor.u32 v3, v4  }
0x225: {  	v4 =	vperm.xlane v3, v0;
	_ =	sdelay $0x1  }
0x226: {  	v3 =	vperm.xlane v3, v2;
	v4 =	vadd.s32 v1, v4;
	_ =	sdelay $0x1  }
0x227: {  	v3 =	vadd.s32 v1, v3;
	_ =	sdelay $0x2  }
0x228: {  	[tilespmem:s28], [sflag:$0x1] =	stream.indirect_vreg.gather [hbm4b:s3+s2], $0x80, v4, vm0, $0xb8;
	[tilespmem:$0x8080] =	vst v63  }
0x229: {  	_ = 	snop  }
0x22a: {  	[tilespmem:s29], [sflag:$0x1] =	stream.indirect_vreg.gather [hbm4b:s3+s2], $0x80, v3, vm0, $0xb8;
	[tilespmem:$0x8080] =	vst v63  }
0x22b: {  	v3 =	vld [tilespmem:$0x70];
	_ =	sdelay $0x4  }
0x22c: {  	v63 =	vshll.u32 v3, $0x1  }
0x22d: {  	v3 =	vand.u32 $0x7, v3;
	v4 =	vand.u32 $0xFFFFFFF0, v63  }
0x22e: {  	v3 =	vor.u32 v3, v4  }
0x22f: {  	v4 =	vperm.xlane v3, v0;
	_ =	sdelay $0x1  }
0x230: {  	v3 =	vperm.xlane v3, v2;
	v4 =	vadd.s32 v1, v4;
	_ =	sdelay $0x1  }
0x231: {  	v3 =	vadd.s32 v1, v3;
	_ =	sdelay $0x2  }
0x232: {  	[tilespmem:s30], [sflag:$0x1] =	stream.indirect_vreg.gather [hbm4b:s3+s2], $0x80, v4, vm0, $0xb8;
	[tilespmem:$0x8080] =	vst v63  }
0x233: {  	_ = 	snop  }
0x234: {  	[tilespmem:s31], [sflag:$0x1] =	stream.indirect_vreg.gather [hbm4b:s3+s2], $0x80, v3, vm0, $0xb8;
	[tilespmem:$0x8080] =	vst v63  }
0x235: {  	_ =	swait.ge [sflag:s0], $0x8000  }
0x236: {  	p0 =	sne.s32 s13, $0x1;
	[sflag:s0] =	ssyncset.done $0x0  }
.Ltmp0:
0x237: {  	[sflag:s0] =	ssyncadd.s32 $0xFFFF8000;
	(pc) =	sbr.rel @p0 .LBB2_1-.Ltmp0, $4  }
0x238: {  	[hbm4b:s12+s2] =	stream.linear.scatter [tilespmem:s15], [sflag:$0x2], $0x8000, $0x38;
	[tilespmem:$0x8080] =	vst v63  }
0x239: {  	_ =	swait.ge [sflag:s14], $0x8000  }
0x23a: {  	[sflag:s14] =	ssyncset.done $0x0  }
0x23b: {  	s13 =	sadd.s32 $0xFFFFFFFF, s13;
	[sflag:s14] =	ssyncadd.s32 $0xFFFF8000  }
0x23c: {  	_ =	sfence.sel $0x180000  }
0x23d: {  	[bflag:$0x0] =	sbarrier.arrive $0xFFFF  }
0x23e: {  	_ =	strace $0x90000047  }
0x23f: {  	s0 =	stileid.u32;
	[bflag:$0x2] =	sbarrier.arrive $0xFFFF  }
0x240: {  	p0 =	sne.s32 s0, $0x0;
	s0 =	rddreg [dreg:$0x2]  }
0x241: {  	s0 =	sadd.s32 @!p0 $0x100000, s0  }
0x242: {  	[sflag:s0] =	ssyncadd.tile.s32 @!p0 $0x1;
	_ =	shalt  }
.Lfunc_end2:
_tile_overlayer_lowered:
.L_overlay_start_2:
0x243: {  	(tag) =	ssettag $0x2  }
0x244: {  	s0 =	rddreg [dreg:$0x0];
	s2 =	stileid.u32  }
0x245: {  	s1 =	rddreg [dreg:$0x1];
	p0 =	sne.s32 s2, $0x0  }
0x246: {  	s3 =	rddreg [dreg:$0x2];
	[bflag:$0x3] =	sbarrier.arrive $0xFFFF;
	s2 =	simm.s32 @!p0 $0x1C02  }
0x247: {  	[timem:s3], [sflag:s2] =	dma.local @!p0 [hbm:s0], s1  }
0x248: {  	s0 =	simm.s32 @!p0 $0x2  }
0x249: {  	_ =	swait.ge @!p0 [sflag:s0], s1  }
0x24a: {  	s1 =	ssub.s32 @!p0 $0x0, s1;
	[sflag:s0] =	ssyncset.done @!p0 $0x0  }
0x24b: {  	[sflag:s0] =	ssyncadd.s32 @!p0 s1  }
0x24c: {  	[bflag:$0x3] =	sbarrier.arrive $0xFFFF  }
0x24d: {  	_ =	shalt  }

// kernel: sparse-core-data-format-call.cloned.1.call-start
scs
called_computation_lowered:
.L_overlay_start_0:
0x0: {  	s2 =	sld [smem:$0x3FD9]  }
0x1: {  	s3 =	sld [smem:$0x3FFE];
	_ =	sdelay $0x1  }
0x2: {  	s1 =	srdreg.scid  }
0x3: {  	s0 =	sand.u32 $0x1, s1  }
0x4: {  	s16 =	sshll.u32 s0, $0xA;
	s2 =	sadd.s32 s3, s2  }
0x5: {  	s2 =	sadd.s32 s2, s16  }
0x6: {  	[smem:$0x3FC4] =	sst s2  }
0x7: {  	_ = 	snop  }
0x8: {  	s2 =	sld [smem:$0x3FD0];
	_ =	sdelay $0x2  }
0x9: {  	s17 =	simm.s32 $0xB;
	s4 =	simm.s32 $0x10  }
0xa: {  	[smem:s4], [sflag:s17] =	dma.local [hbm:s2], $0x1  }
0xb: {  	_ =	swait.eq [sflag:s17], $0x1  }
0xc: {  	[sflag:s17] =	ssyncset.done $0x0  }
0xd: {  	[sflag:s17] =	ssyncadd.s32 $0xFFFFFFFF  }
0xe: {  	s18 =	sld [smem:$0x12];
	(tm) =	ssettm $0x1  }
0xf: {  	s19 =	sld [smem:$0x3FFB];
	_ =	sdelay $0x3  }
0x10: {  	_ =	strace s19  }
0x11: {  	s2 =	sld [smem:$0x3FFC];
	_ =	sdelay $0x3  }
0x12: {  	_ =	strace s2  }
0x13: {  	s2 =	sld [smem:$0x3FFD];
	_ =	sdelay $0x3  }
0x14: {  	_ =	strace s2  }
0x15: {  	_ =	strace $0x8FFFFFFF  }
0x16: {  	s20 =	sld [smem:$0x3FDB];
	_ =	sdelay $0x1  }
0x17: {  	s21 =	simm.s32 $_scs_section_size  }
0x18: {  	s5 =	simm.s32 $_size__tile_overlayer_lowered;
	s6 =	simm.s32 $_tile_overlayer_lowered  }
0x19: {  	s7 =	simm.s32 $0x1BFF;
	s22 =	sshll.u32 s6, $0x1;
	s4 =	sadd.s32 s21, s20  }
0x1a: {  	s23 =	simm.s32 $0x0;
	s5 =	sshll.u32 s5, $0x1;
	s6 =	sadd.s32 s22, s4  }
0x1b: {  	[timem:s23], [sflag:s7] =	dma.local [hbm:s6], s5  }
0x1c: {  	_ =	swait.ge [sflag:s7], s5  }
0x1d: {  	s5 =	ssub.s32 $0x0, s5;
	[sflag:s7] =	ssyncset.done $0x0  }
0x1e: {  	[sflag:s7] =	ssyncadd.s32 s5;
	_ =	sdelay $0x1  }
0x1f: {  	s24 =	simm.s32 $0x1B8B  }
0x20: {  	_ =	swait.ge [sflag:s24], $0x1  }
0x21: {  	[sflag:s24] =	ssyncset.done $0x0  }
0x22: {  	[sflag:s24] =	ssyncadd.s32 $0xFFFFFFFF  }
0x23: {  	s5 =	sld [smem:$0x0]  }
0x24: {  	s6 =	sand.u32 $0xFFFFFFFE, s1  }
0x25: {  	p0 =	sne.s32 s1, s6  }
0x26: {  	s6 =	sshll.u32 @p0 s6, $0xE  }
0x27: {  	s6 =	sadd.s32 @p0 $0x11B8D, s6;
	s7 =	sshll.u32 @p0 s5, $0x11  }
0x28: {  	s6 =	sor.u32 @p0 s7, s6  }
0x29: {  	[sflag:s6] =	ssyncadd.remote.s32 @p0 $0x1;
	_ =	sdelay $0x1  }
0x2a: {  	s6 =	simm.s32 @p0 $0x1B8D  }
0x2b: {  	_ =	swait.eq @p0 [sflag:s6], $0x1  }
0x2c: {  	[sflag:s6] =	ssyncadd.s32 @p0 $0xFFFFFFFF  }
0x2d: {  	s7 =	sshll.u32 @!p0 s1, $0xE  }
0x2e: {  	s7 =	sor.u32 @!p0 $0x4000, s7;
	s6 =	simm.s32 @!p0 $0x1B8D  }
0x2f: {  	s5 =	sshll.u32 @!p0 s5, $0x11;
	s7 =	sadd.s32 @!p0 $0x11B8D, s7;
	_ =	swait.eq @!p0 [sflag:s6], $0x1  }
0x30: {  	s5 =	sor.u32 @!p0 s5, s7;
	[sflag:s6] =	ssyncadd.s32 @!p0 $0xFFFFFFFF  }
0x31: {  	s26 =	simm.s32 $0x1B8E;
	s25 =	sld [smem:$0x3FFE];
	[sflag:s5] =	ssyncadd.remote.s32 @!p0 $0x1  }
0x32: {  	s27 =	simm.s32 $execute0_lowered;
	[smem:$0x3FD2] =	sst s26  }
0x33: {  	s6 =	sshll.u32 s27, $0x1;
	_ =	strace $0x80000049;
	[dreg:$0x1] =	wrdreg $0xFFFFFFFF  }
0x34: {  	s28 =	simm.s32 $_size_execute0_lowered;
	s4 =	sadd.s32 s4, s6;
	[dreg:$0x0] =	wrdreg $0x0  }
0x35: {  	s6 =	sshll.u32 s28, $0x1;
	[dreg:$0x2] =	wrdreg s4  }
0x36: {  	[dreg:$0x3] =	wrdreg s6  }
0x37: {  	[dreg:$0x4] =	wrdreg $0xC0  }
0x38: {  	_ =	task [dreg:s23], $0x5FFFF  }
0x39: {  	[dreg:$0x1] =	wrdreg $0xFFFFFFFF  }
0x3a: {  	[dreg:$0x0] =	wrdreg $0x60  }
0x3b: {  	[dreg:$0x2] =	wrdreg s25  }
0x3c: {  	[dreg:$0x3] =	wrdreg s18  }
0x3d: {  	[dreg:$0x4] =	wrdreg $0x9  }
0x3e: {  	_ =	task.clear_ibuf [dreg:s23], $0x5FFFF;
	_ =	strace $0x90000049  }
0x3f: {  	s29 =	simm.s32 $0x9;
	_ =	strace $0x8000004B  }
0x40: {  	_ =	swait.ge [sflag:s29], $0x1  }
0x41: {  	[sflag:s29] =	ssyncadd.s32 $0xFFFFFFFF  }
0x42: {  	_ =	strace $0x9000004B  }
0x43: {  	_ =	sfence  }
0x44: {  	s30 =	sld [smem:$0x0];
	_ =	sdelay $0x2  }
0x45: {  	s31 =	sshll.u32 s1, $0xD;
	s1 =	sshrl.u32 s1, $0x2  }
0x46: {  	s4 =	sand.u32 $0x4000, s31;
	s1 =	sadd.s32 s1, s30  }
0x47: {  	s0 =	sor.u32 s4, s0;
	s1 =	sshll.u32 s1, $0x11  }
0x48: {  	s0 =	sor.u32 s1, s0  }
0x49: {  	s0 =	sadd.s32 $0x8F2B, s0  }
0x4a: {  	[sflag:s0] =	ssyncadd.remote.s32 $0x1  }
0x4b: {  	_ =	sfence.sel $0xFFFF  }
0x4c: {  	[dreg:$0x0] =	wrdreg $0xFFFFFFFF;
	(pc) =	sbr.abs _section_cstart, $3  }
0x4d: {  	[dreg:$0x1] =	wrdreg $0xFFFFFFFF  }
0x4e: {  	_ =	task.clear_ibuf [dreg:s23], $0x2FFFF;
	_ =	strace $0x9FFFFFFF  }
0x4f: {  	(tm) =	ssettm $0x7FFFFFFF  }
tec
execute0_lowered:
.L_overlay_start_1:
0x0: {  	(tag) =	ssettag $0x1  }
0x1: {  	s0 =	stileid.u32  }
0x2: {  	s1 =	srdreg.scid;
	s5 =	rddreg [dreg:$0x0]  }
0x3: {  	s6 =	simm.s32 $0x1;
	_ =	strace $0x8000004A;
	s8 =	simm.s32 $0x2  }
0x4: {  	s20 =	simm.s32 $0x0;
	s2 =	sshll.u32 s0, $0x5;
	s1 =	sshll.u32 s1, $0x9  }
0x5: {  	s9 =	simm.s32 $0x4000;
	s19 =	simm.s32 $0x0;
	s1 =	sor.u32 s2, s1  }
0x6: {  	s22 =	simm.s32 $0x0;
	s21 =	simm.s32 $0x0;
	s2 =	sand.u32 $0x380, s1  }
0x7: {  	s10 =	simm.s32 $0x0;
	s11 =	simm.s32 $0x0;
	s4 =	ssub.s32 $0x800, s2  }
0x8: {  	s12 =	simm.s32 $0x0;
	s13 =	simm.s32 $0x0;
	s31 =	sand.u32 $0x380, s4  }
0x9: {  	s14 =	simm.s32 $0x0;
	s17 =	simm.s32 $0x0;
	p0 =	sne.s32 s31, $0x0  }
.Ltmp0:
0xa: {  	s4 =	sshrl.u32 s4, $0xA;
	s6 =	simm.s32 @!p0 $0x0;
	(pc) =	sbr.rel .LBB1_1-.Ltmp0, $4  }
0xb: {  	s18 =	simm.s32 $0x0;
	s7 =	sand.u32 $0x3, s0;
	s6 =	sadd.s32 s6, s4  }
0xc: {  	s4 =	sadd.s32 $0x18600, s5;
	s5 =	simm.s32 $0x1;
	s6 =	smul.u32 $0x18, s6  }
0xd: {  	s16 =	smov.u32 s7;
	s15 =	smov.u32 s2;
	[sflag:s5] =	ssyncpa.u1 $0x0  }
0xe: {  	p0 =	por $0x0, $0x0;
	[sflag:s8] =	ssyncpa.u1 $0x0;
	s8 =	sor.u32 $0x1, s6  }
.LBB1_4:
0xf: {  	s27 =	sshra.s32 s27, $0x2;
	s1 =	sand.u32 $0x78, s11  }
0x10: {  	s28 =	sshll.u32 s10, $0xB;
	s29 =	sshll.u32 s11, $0x3;
	p1 =	sgt.s32 s12, $0x3  }
0x11: {  	s3 =	sshra.s32 s12, $0x1F;
	s31 =	smov.u32 s13;
	s26 =	sadd.s32 s27, s26  }
0x12: {  	s28 =	sand.u32 $0xFFFFC000, s28;
	s30 =	sand.u32 $0xFFFFFC00, s29;
	s29 =	sand.u32 $0x400, s29  }
0x13: {  	s28 =	sadd.s32 s30, s28;
	s27 =	sor.u32 s1, s29;
	s29 =	smov.u32 s12  }
0x14: {  	s30 =	sand.u32 s3, s12;
	s1 =	sshra.s32 s13, $0x1F;
	s3 =	sshra.s32 s11, $0x1F  }
0x15: {  	s28 =	sshrl.u32 s28, $0xB;
	s29 =	simm.s32 @!p1 $0x3;
	p1 =	sgt.s32 s13, $0x2  }
0x16: {  	s1 =	sand.u32 s1, s13;
	s29 =	ssub.s32 s29, s30;
	s31 =	simm.s32 @!p1 $0x2  }
0x17: {  	s30 =	smulhi.u32 $0x418938, s28;
	s0 =	sadd.s32 $0xFFFFFFFD, s29;
	s1 =	ssub.s32 s31, s1  }
0x18: {  	p1 =	sgt.s32 s0, $0x0;
	s0 =	ssub.s32 $0x4, s29;
	s31 =	sadd.s32 $0xFFFFFFFE, s1  }
0x19: {  	s1 =	ssub.s32 $0x3, s1;
	s0 =	simm.s32 @p1 $0x0;
	p1 =	sgt.s32 s31, $0x0  }
0x1a: {  	s29 =	smov.u32 s11;
	s1 =	simm.s32 @p1 $0x0;
	p1 =	sgt.s32 s11, $0x780  }
0x1b: {  	s31 =	smov.u32 s10;
	s0 =	smul.u32 s1, s0;
	s29 =	simm.s32 @!p1 $0x780  }
0x1c: {  	v5 =	vld [tilespmem:s24+$0xFFFFFFD0];
	[tilespmem:s25+$0x2040 ss:$0x81] =	vst.msk $0xffff, v4;
	s1 =	sand.u32 s3, s11;
	p1 =	sgt.s32 s10, $0x368;
	s3 =	sshra.s32 s10, $0x1F  }
0x1d: {  	v58 =	vld [tilespmem:s24+$0xFFFFFFE0];
	[tilespmem:s25+$0x2850 ss:$0x81] =	vst.msk $0xffff, v3;
	s1 =	ssub.s32 s29, s1;
	s31 =	simm.s32 @!p1 $0x368;
	s3 =	sand.u32 s3, s10  }
0x1e: {  	v59 =	vld [tilespmem:s24+$0xFFFFFFF0];
	[tilespmem:s25+$0x3060 ss:$0x81] =	vst.msk $0xffff, v2;
	s30 =	smul.u32 $0x3E8, s30;
	s29 =	sadd.s32 $0xFFFFF880, s1;
	s3 =	ssub.s32 s31, s3  }
0x1f: {  	[tilespmem:s25+$0x0 ss:$0x81] =	vst.msk $0xffff, v1;
	v60 =	vld [tilespmem:s24+$0x0];
	s1 =	ssub.s32 $0x800, s1;
	s31 =	sshll.u32 s10, $0x7;
	p1 =	sgt.s32 s29, $0x7F  }
0x20: {  	v61 =	vld [tilespmem:s24+$0x10];
	[tilespmem:s26+$0x3870 ss:$0x81] =	vst.msk $0xffff, v0;
	s25 =	sand.u32 $0x380, s31;
	s31 =	sadd.s32 $0xFFFFFC98, s3;
	s1 =	simm.s32 @p1 $0x0  }
0x21: {  	v62 =	vld [tilespmem:s24+$0x20];
	[tilespmem:s26+$0x810 ss:$0x81] =	vst.msk $0xffff, v5;
	p1 =	sgt.s32 s31, $0x7F;
	s0 =	smul.u32 s1, s0  }
0x22: {  	v63 =	vld [tilespmem:s24+$0xFFFFFFC0];
	[tilespmem:s26+$0x1020 ss:$0x81] =	vst.msk $0xffff, v58;
	s24 =	sor.u32 s25, s27;
	s1 =	ssub.s32 $0x3E8, s3;
	s3 =	smul.u32 $0x3E800, s13  }
0x23: {  	[tilespmem:s26+$0x1830 ss:$0x81] =	vst.msk $0xffff, v59;
	s25 =	smul.u32 $0xBB800, s12;
	s31 =	rddreg [dreg:$0x1];
	s1 =	simm.s32 @p1 $0x0  }
0x24: {  	[tilespmem:s26+$0x2040 ss:$0x81] =	vst.msk $0xffff, v60;
	s30 =	ssub.s32 s28, s30;
	s0 =	smul.u32 s1, s0;
	s1 =	sadd.s32 s31, s3  }
0x25: {  	[tilespmem:s26+$0x2850 ss:$0x81] =	vst.msk $0xffff, v61;
	s29 =	sand.u32 $0x7, s11;
	s28 =	sshrl.u32 s24, $0x3;
	s1 =	sadd.s32 s25, s1  }
0x26: {  	[tilespmem:s26+$0x3060 ss:$0x81] =	vst.msk $0xffff, v62;
	s30 =	sshll.u32 s30, $0x8;
	s31 =	sshll.u32 s29, $0x12;
	s1 =	sadd.s32 s28, s1  }
0x27: {  	[tilespmem:s26+$0x0 ss:$0x81] =	vst.msk $0xffff, v63;
	s3 =	sor.u32 $0x400, s31;
	s0 =	sand.u32 $0x3FFFFFFF, s0;
	s1 =	sadd.s32 s30, s1  }
0x28: {  	[hbm4b:s1+s3] =	stream.strided.scatter [tilespmem:s23], [sflag:$0x2], s0, s9, s3, $0x20;
	[tilespmem:$0x10100] =	vst v63  }
.LBB1_5:
0x29: {  	p1 =	slt.u32 s18, $0x2;
	s0 =	smov.u32 s22;
	s3 =	smov.u32 s21  }
0x2a: {  	s23 =	sadd.s32 $0x80, s14;
	p2 =	sgt.s32 @!p1 s22, $0x3;
	s1 =	sshra.s32 @!p1 s22, $0x1F  }
0x2b: {  	p4 =	sgt.s32 @!p1 s19, $0x780;
	p2 =	por !p2, p1;
	s1 =	sand.u32 @!p1 s1, s22  }
0x2c: {  	s22 =	sshra.s32 @!p1 s21, $0x1F;
	s0 =	simm.s32 @p2 $0x3;
	p2 =	sgt.s32 @!p1 s21, $0x2  }
0x2d: {  	p4 =	por !p4, p1;
	s0 =	ssub.s32 @!p1 s0, s1;
	p2 =	por !p2, p1  }
0x2e: {  	s1 =	sadd.s32 @!p1 $0xFFFFFFFD, s0;
	s3 =	simm.s32 @p2 $0x2;
	s0 =	ssub.s32 @!p1 $0x4, s0  }
0x2f: {  	p3 =	sgt.s32 @!p1 s1, $0x0;
	s1 =	sand.u32 @!p1 s22, s21;
	s21 =	sshra.s32 @!p1 s20, $0x1F  }
0x30: {  	s22 =	smov.u32 s19;
	p2 =	por !p3, p1;
	s1 =	ssub.s32 @!p1 s3, s1  }
0x31: {  	p3 =	sgt.s32 @!p1 s20, $0x368;
	s0 =	simm.s32 @!p2 $0x0;
	s3 =	sadd.s32 @!p1 $0xFFFFFFFE, s1  }
0x32: {  	p3 =	por !p3, p1;
	p2 =	sgt.s32 @!p1 s3, $0x0;
	s3 =	smov.u32 s20  }
0x33: {  	s22 =	simm.s32 @p4 $0x780;
	s20 =	sand.u32 @!p1 s21, s20;
	s3 =	simm.s32 @p3 $0x368  }
0x34: {  	s1 =	ssub.s32 @!p1 $0x3, s1;
	s3 =	ssub.s32 @!p1 s3, s20;
	s20 =	sshra.s32 @!p1 s19, $0x1F  }
0x35: {  	p2 =	por !p2, p1;
	s19 =	sand.u32 @!p1 s20, s19;
	s20 =	sadd.s32 @!p1 $0xFFFFFC98, s3  }
0x36: {  	s1 =	simm.s32 @!p2 $0x0;
	p2 =	sgt.s32 @!p1 s20, $0x7F;
	s19 =	ssub.s32 @!p1 s22, s19  }
0x37: {  	s3 =	ssub.s32 @!p1 $0x3E8, s3;
	p2 =	por !p2, p1;
	s20 =	sadd.s32 @!p1 $0xFFFFF880, s19  }
0x38: {  	s24 =	smov.u32 s15;
	s3 =	simm.s32 @!p2 $0x0;
	p2 =	sgt.s32 @!p1 s20, $0x7F  }
0x39: {  	s0 =	smul.u32 @!p1 s1, s0;
	s1 =	ssub.s32 @!p1 $0x800, s19;
	p2 =	por !p2, p1  }
0x3a: {  	s19 =	sadd.s32 $0x400, s15;
	s1 =	simm.s32 @!p2 $0x0;
	p2 =	sgt.s32 s23, $0x3E7  }
0x3b: {  	s25 =	smov.u32 s16;
	s0 =	smul.u32 @!p1 s1, s0;
	s24 =	smov.u32 @p2 s19  }
0x3c: {  	s23 =	simm.s32 @p2 $0x0;
	s1 =	sadd.s32 $0x4, s16;
	p2 =	sgt.s32 s24, $0x7FF  }
0x3d: {  	p0 =	por !p0, !p0;
	s25 =	smov.u32 @p2 s1  }
0x3e: {  	s24 =	smov.u32 @p2 s2;
	s1 =	simm.s32 $0x1;
	p2 =	sgt.s32 s25, $0x3  }
0x3f: {  	s21 =	smov.u32 s13;
	s13 =	smov.u32 s17;
	s1 =	simm.s32 @!p2 $0x0  }
0x40: {  	s22 =	smov.u32 s12;
	s12 =	smov.u32 s16;
	s1 =	sadd.s32 s1, s17  }
0x41: {  	s20 =	smov.u32 s10;
	s25 =	smov.u32 @p2 s7;
	p2 =	sgt.s32 s1, $0x2  }
0x42: {  	s0 =	smul.u32 @!p1 s3, s0;
	s1 =	simm.s32 @p2 $0x0;
	p2 =	sne.s32 s18, s8  }
.Ltmp1:
0x43: {  	s10 =	smov.u32 s14;
	s19 =	smov.u32 s11;
	(pc) =	sbr.rel @!p2 .LBB1_6-.Ltmp1, $4  }
0x44: {  	s11 =	smov.u32 s15;
	s3 =	simm.s32 @!p1 $0x2;
	s0 =	sand.u32 @!p1 $0x3FFFFFFF, s0  }
0x45: {  	s14 =	smov.u32 s23;
	s15 =	smov.u32 s24;
	_ =	swait.ge @!p1 [sflag:s3], s0  }
0x46: {  	s0 =	ssub.s32 @!p1 $0x0, s0;
	s16 =	smov.u32 s25;
	[sflag:s3] =	ssyncset.done @!p1 $0x0  }
0x47: {  	s18 =	sadd.s32 $0x1, s18;
	[sflag:s3] =	ssyncadd.s32 @!p1 s0;
	s17 =	smov.u32 s1  }
.LBB1_1:
0x48: {  	p1 =	sge.u32 s18, s6;
	s31 =	sadd.s32 $0xFFFFFFFF, s18  }
0x49: {  	s23 =	sxor.u32 @!p1 $0xFFFFFFFF, s18;
	s24 =	sshll.u32 @!p1 s15, $0x7;
	s25 =	sand.u32 @!p1 $0x78, s14  }
0x4a: {  	s27 =	sshll.u32 @!p1 s16, $0x12;
	s23 =	sshll.u32 @!p1 s23, $0xE;
	s26 =	sand.u32 @!p1 $0x380, s24  }
0x4b: {  	s24 =	sand.u32 @!p1 $0x3FC00, s24;
	s25 =	sor.u32 @!p1 s25, s26;
	s26 =	sshll.u32 @!p1 s17, $0x14  }
0x4c: {  	s23 =	sand.u32 @!p1 $0x4000, s23;
	s24 =	sadd.s32 @!p1 s14, s24;
	s26 =	sadd.s32 @!p1 s4, s26  }
0x4d: {  	s25 =	sshrl.u32 @!p1 s25, $0x3;
	s26 =	sadd.s32 @!p1 s27, s26;
	s27 =	sand.u32 @!p1 $0x7, s14  }
0x4e: {  	s24 =	sand.u32 @!p1 $0x3FF80, s24;
	s25 =	sadd.s32 @!p1 s25, s26;
	s26 =	sshll.u32 @!p1 s27, $0x12  }
0x4f: {  	s24 =	sadd.s32 @!p1 s24, s25;
	s25 =	sor.u32 @!p1 $0x400, s26;
	s26 =	simm.s32 @!p1 $0x2000  }
0x50: {  	[tilespmem:s23], [sflag:$0x1] =	stream.strided.gather @!p1 [hbm4b:s24+s25], $0x4000, s26, s25, $0x38;
	[tilespmem:$0x10100] =	vst v63  }
0x51: {  	p1 =	sge.u32 s31, s6  }
.Ltmp2:
0x52: {  	_ = 	snop;
	(pc) =	sbr.rel @p1 .LBB1_5-.Ltmp2, $1  }
0x53: {  	_ =	sdelay $0x3  }
0x54: {  	s23 =	simm.s32 $0x1  }
0x55: {  	_ =	swait.ge [sflag:s5], $0x4000;
	s23 =	simm.s32 @!p0 $0x0  }
0x56: {  	[sflag:s5] =	ssyncset.done $0x0;
	s24 =	sshll.u32 s23, $0xE  }
0x57: {  	[sflag:s5] =	ssyncadd.s32 $0xFFFFC000;
	s24 =	sor.u32 $0x40, s24  }
0x58: {  	s23 =	smul.u32 $0x10200, s23;
	v0 =	vld [tilespmem:s24+$0x30]  }
0x59: {  	v1 =	vld [tilespmem:s24+$0xFFFFFFD0]  }
0x5a: {  	s23 =	sshrl.u32 s23, $0x2;
	v5 =	vld [tilespmem:s24+$0xFFFFFFE0]  }
0x5b: {  	v6 =	vld [tilespmem:s24+$0xFFFFFFF0];
	s26 =	sor.u32 $0x8000, s23  }
0x5c: {  	s31 =	sand.u32 $0x1, s18;
	v4 =	vld [tilespmem:s24+$0x0];
	s25 =	sadd.s32 $0x0, s26  }
0x5d: {  	v3 =	vld [tilespmem:s24+$0x10];
	s23 =	smul.u32 $0x10200, s31;
	[tilespmem:s25+$0x3870 ss:$0x81] =	vst.msk $0xffff, v0  }
0x5e: {  	v2 =	vld [tilespmem:s24+$0x20];
	[tilespmem:s25+$0x810 ss:$0x81] =	vst.msk $0xffff, v1  }
0x5f: {  	s23 =	sshrl.u32 s23, $0x2;
	v1 =	vld [tilespmem:s24+$0xFFFFFFC0];
	[tilespmem:s25+$0x1020 ss:$0x81] =	vst.msk $0xffff, v5;
	s24 =	sadd.s32 $0x80, s24  }
0x60: {  	s27 =	simm.s32 $0x4;
	s28 =	simm.s32 $0x8;
	s23 =	sor.u32 $0x8000, s23;
	[tilespmem:s25+$0x1830 ss:$0x81] =	vst.msk $0xffff, v6;
	v0 =	vld [tilespmem:s24+$0x30]  }
.LBB1_3:
0x61: {  	p1 =	sne.s32 s28, $0x1FC;
	v5 =	vld [tilespmem:s24+$0xFFFFFFD0];
	[tilespmem:s25+$0x2040 ss:$0x81] =	vst.msk $0xffff, v4  }
0x62: {  	v6 =	vld [tilespmem:s24+$0xFFFFFFE0];
	[tilespmem:s25+$0x2850 ss:$0x81] =	vst.msk $0xffff, v3  }
0x63: {  	s29 =	sshra.s32 s27, $0x2;
	s27 =	smov.u32 s28;
	v7 =	vld [tilespmem:s24+$0xFFFFFFF0];
	[tilespmem:s25+$0x3060 ss:$0x81] =	vst.msk $0xffff, v2  }
.Ltmp3:
0x64: {  	v4 =	vld [tilespmem:s24+$0x0];
	[tilespmem:s25+$0x0 ss:$0x81] =	vst.msk $0xffff, v1;
	s25 =	sadd.s32 s29, s26;
	(pc) =	sbr.rel @p1 .LBB1_3-.Ltmp3, $4  }
0x65: {  	v3 =	vld [tilespmem:s24+$0x10];
	[tilespmem:s25+$0x3870 ss:$0x81] =	vst.msk $0xffff, v0  }
0x66: {  	[tilespmem:s25+$0x810 ss:$0x81] =	vst.msk $0xffff, v5;
	v2 =	vld [tilespmem:s24+$0x20]  }
0x67: {  	v1 =	vld [tilespmem:s24+$0xFFFFFFC0];
	[tilespmem:s25+$0x1020 ss:$0x81] =	vst.msk $0xffff, v6;
	s24 =	sadd.s32 $0x80, s24  }
0x68: {  	s28 =	sadd.s32 $0x4, s28;
	v0 =	vld [tilespmem:s24+$0x30];
	[tilespmem:s25+$0x1830 ss:$0x81] =	vst.msk $0xffff, v7  }
.Ltmp4:
0x69: {  	_ = 	snop;
	(pc) =	sbr.rel .LBB1_4-.Ltmp4, $1  }
0x6a: {  	_ =	sdelay $0x3  }
.LBB1_6:
0x6b: {  	_ =	sfence.sel $0x180000  }
0x6c: {  	s0 =	simm.s32 $0x1;
	[bflag:$0x0] =	sbarrier.arrive $0xFFFF  }
0x6d: {  	s30 =	simm.s32 $0x2;
	[sflag:s0] =	ssyncpa.u1 $0x1  }
0x6e: {  	[sflag:s30] =	ssyncpa.u1 $0x1  }
0x6f: {  	_ =	strace $0x9000004A  }
0x70: {  	s31 =	stileid.u32;
	[bflag:$0x2] =	sbarrier.arrive $0xFFFF  }
0x71: {  	p0 =	sne.s32 s31, $0x0;
	s0 =	rddreg [dreg:$0x2]  }
0x72: {  	s0 =	sadd.s32 @!p0 $0x100000, s0  }
0x73: {  	[sflag:s0] =	ssyncadd.tile.s32 @!p0 $0x1;
	_ =	shalt  }
.Lfunc_end1:
_tile_overlayer_lowered:
.L_overlay_start_2:
0x74: {  	(tag) =	ssettag $0x2  }
0x75: {  	s0 =	rddreg [dreg:$0x0];
	s2 =	stileid.u32  }
0x76: {  	s1 =	rddreg [dreg:$0x1];
	p0 =	sne.s32 s2, $0x0  }
0x77: {  	s3 =	rddreg [dreg:$0x2];
	[bflag:$0x3] =	sbarrier.arrive $0xFFFF;
	s2 =	simm.s32 @!p0 $0x1C01  }
0x78: {  	[timem:s3], [sflag:s2] =	dma.local @!p0 [hbm:s0], s1  }
0x79: {  	s0 =	simm.s32 @!p0 $0x1  }
0x7a: {  	_ =	swait.ge @!p0 [sflag:s0], s1  }
0x7b: {  	s1 =	ssub.s32 @!p0 $0x0, s1;
	[sflag:s0] =	ssyncset.done @!p0 $0x0  }
0x7c: {  	[sflag:s0] =	ssyncadd.s32 @!p0 s1  }
0x7d: {  	[bflag:$0x3] =	sbarrier.arrive $0xFFFF  }
0x7e: {  	_ =	shalt  }

</sc_bundles>
